<compile_context>
chip_gen: v7x
topology: tpu7x:2x2x1
jax: 0.10.2.dev20260603
libtpu: 0.0.44.dev20260713+nightly
codegen_flags: <defaults>
</compile_context>

<pallas_src>
import functools

import jax
import jax.numpy as jnp
from jax import lax
from jax.experimental import pallas as pl
from jax.experimental.pallas import tpu as pltpu
from jax.experimental.pallas import tpu_sc as plsc

N_NODES = 10000
N_EVENTS = 160000
PREV = 128
AGG = PREV + 1
OUT = AGG + PREV
EPS = 1e-5

W = 136
NTILES = 32
CHUNK = 128
NCHUNKS = N_EVENTS // CHUNK
CPT = 40
ZROWS = N_NODES // 16


def _sc_scatter(rem_u, rem_v, idx_v, idx_u, g_t, zinit):
    mesh = plsc.VectorSubcoreMesh(core_axis_name="c", subcore_axis_name="s")

    @functools.partial(
        pl.kernel,
        out_type=jax.ShapeDtypeStruct((2, N_NODES, W), jnp.float32),
        mesh=mesh,
        scratch_types=[
            pltpu.VMEM_SHARED((N_NODES, W), jnp.float32),
            pltpu.VMEM((2, CHUNK, W), jnp.float32),
            pltpu.VMEM((2, 128), jnp.int32),
            pltpu.VMEM((2, 128), jnp.float32),
            pltpu.SemaphoreType.DMA,
            pltpu.SemaphoreType.DMA,
            pltpu.SemaphoreType.DMA,
            pltpu.SemaphoreType.DMA,
        ],
        compiler_params=pltpu.CompilerParams(use_tc_tiling_on_sc=False,
                                             needs_layout_passes=False),
    )
    def sc_kernel(rem_u_hbm, rem_v_hbm, idx_v_hbm, idx_u_hbm, g_hbm, z_hbm,
                  out_hbm, table, bufs, islots, gbufs, semi0, semi1, sems0, sems1):
        c = lax.axis_index("c")
        s = lax.axis_index("s")
        wid = c * 16 + s
        c0 = wid * CPT
        npairs = jnp.where(wid < NTILES - 1, CPT // 2,
                           (NCHUNKS - (NTILES - 1) * CPT) // 2)
        sem_in = (semi0, semi1)
        sem_sc = (sems0, sems1)

        pltpu.sync_copy(z_hbm, table.at[pl.ds(s * ZROWS, ZROWS), :])
        plsc.subcore_barrier()

        streams = ((rem_u_hbm, idx_v_hbm), (rem_v_hbm, idx_u_hbm))

        def start_in(ci, b):
            rem_hbm, idx_hbm = streams[b]
            base = (c0 + ci) * CHUNK
            pltpu.async_copy(rem_hbm.at[pl.ds(base, CHUNK), :],
                             bufs.at[b, :, pl.ds(0, PREV)], sem_in[b])
            pltpu.async_copy(g_hbm.at[pl.ds(base, CHUNK)],
                             gbufs.at[b], sem_in[b])
            pltpu.async_copy(idx_hbm.at[pl.ds(c0 + ci, 1), :],
                             islots.at[pl.ds(b, 1), :], sem_in[b])

        def wait_in_and_scatter(b):
            rem_hbm, idx_hbm = streams[b]
            pltpu.make_async_copy(rem_hbm.at[pl.ds(0, CHUNK), :],
                                  bufs.at[b, :, pl.ds(0, PREV)],
                                  sem_in[b]).wait()
            pltpu.make_async_copy(g_hbm.at[pl.ds(0, CHUNK)],
                                  gbufs.at[b], sem_in[b]).wait()
            lane = lax.iota(jnp.int32, 16)
            colv = jnp.full((16,), PREV, dtype=jnp.int32)
            for k in range(CHUNK // 16):
                plsc.store_scatter(bufs.at[b], [lane + k * 16, colv],
                                   gbufs[b, pl.ds(k * 16, 16)])
            pltpu.make_async_copy(idx_hbm.at[pl.ds(0, 1), :],
                                  islots.at[pl.ds(b, 1), :],
                                  sem_in[b]).wait()
            pltpu.async_copy(bufs.at[b], table.at[islots.at[b]],
                             sem_sc[b], add=True)

        def wait_scatter(b):
            rem_hbm, idx_hbm = streams[b]
            pltpu.make_async_copy(bufs.at[b], table.at[islots.at[b]],
                                  sem_sc[b]).wait()

        nch = npairs * 2
        start_in(0, 0)
        start_in(0, 1)

        @pl.loop(0, nch)
        def _chunks(i):
            wait_in_and_scatter(0)
            wait_in_and_scatter(1)
            wait_scatter(0)

            @pl.when(i < nch - 1)
            def _():
                start_in(i + 1, 0)

            wait_scatter(1)

            @pl.when(i < nch - 1)
            def _():
                start_in(i + 1, 1)

        plsc.subcore_barrier()
        pltpu.sync_copy(table.at[pl.ds(s * ZROWS, ZROWS), :],
                        out_hbm.at[c, pl.ds(s * ZROWS, ZROWS), :])

    return sc_kernel(rem_u, rem_v, idx_v, idx_u, g_t, zinit)


BLK = 1000
NBLK = N_NODES // BLK


def _tc_fused_kernel(p0_ref, p1_ref, h_ref, w1p_ref, w1b_ref, gam_ref, bet_ref,
                     w2a_ref, w2b_ref, b2_ref, out_ref, agg_vmem, acc):
    i = pl.program_id(0)

    @pl.when(i < NBLK)
    def _():
        a = p0_ref[0] + p1_ref[0]
        agg_vmem[pl.ds(i * BLK, BLK), :] = a

        @pl.when(i == 0)
        def _():
            acc[...] = jnp.zeros_like(acc)

        acc[0:1, :] += jnp.sum(a, axis=0, keepdims=True)
        acc[1:2, :] += jnp.sum(a * a, axis=0, keepdims=True)

    @pl.when(i >= NBLK)
    def _():
        j = i - NBLK
        a = agg_vmem[pl.ds(j * BLK, BLK), :]
        inv_n = jnp.float32(1.0 / N_NODES)
        mean = acc[0:1, :] * inv_n
        var = acc[1:2, :] * inv_n - mean * mean
        inv = lax.rsqrt(var + EPS)
        normed = (a - mean) * (inv * gam_ref[...]) + bet_ref[...]
        h1 = jnp.maximum(
            jnp.dot(normed, w1p_ref[...], preferred_element_type=jnp.float32)
            + w1b_ref[...], 0.0)
        out = (jnp.dot(h_ref[...], w2a_ref[...],
                       preferred_element_type=jnp.float32)
               + jnp.dot(h1, w2b_ref[...], preferred_element_type=jnp.float32)
               + b2_ref[...])
        out_ref[...] = out


def kernel(u, v, g, h, event, remember_u, remember_v, bn_gamma, bn_beta,
           w1_w, w1_b, w2_w, w2_b):
    del event

    idx_v = v.astype(jnp.int32).reshape(NCHUNKS, CHUNK)
    idx_u = u.astype(jnp.int32).reshape(NCHUNKS, CHUNK)
    g_t = g.astype(jnp.float32).reshape(N_EVENTS)
    zinit = jnp.zeros((ZROWS, W), jnp.float32)

    partial = _sc_scatter(remember_u, remember_v, idx_v, idx_u, g_t, zinit)

    w1T = w1_w.T
    w1p = jnp.zeros((W, W), jnp.float32).at[:AGG, :AGG].set(w1T)
    w1bp = jnp.zeros((1, W), jnp.float32).at[0, :AGG].set(w1_b)
    gamp = jnp.zeros((1, W), jnp.float32).at[0, :AGG].set(bn_gamma)
    betp = jnp.zeros((1, W), jnp.float32).at[0, :AGG].set(bn_beta)
    w2T = w2_w.T
    w2a = w2T[:PREV, :]
    w2bp = jnp.zeros((W, OUT), jnp.float32).at[:AGG, :].set(w2T[PREV:, :])
    b2 = w2_b[None, :]

    def _pclamp(core):
        return lambda i: (core, jnp.minimum(i, NBLK - 1), 0)

    def _mlpblk(i):
        return (jnp.maximum(i - NBLK, 0), 0)

    out = pl.pallas_call(
        _tc_fused_kernel,
        grid=(2 * NBLK,),
        in_specs=[
            pl.BlockSpec((1, BLK, W), _pclamp(0)),
            pl.BlockSpec((1, BLK, W), _pclamp(1)),
            pl.BlockSpec((BLK, PREV), _mlpblk),
            pl.BlockSpec((W, W), lambda i: (0, 0)),
            pl.BlockSpec((1, W), lambda i: (0, 0)),
            pl.BlockSpec((1, W), lambda i: (0, 0)),
            pl.BlockSpec((1, W), lambda i: (0, 0)),
            pl.BlockSpec((PREV, OUT), lambda i: (0, 0)),
            pl.BlockSpec((W, OUT), lambda i: (0, 0)),
            pl.BlockSpec((1, OUT), lambda i: (0, 0)),
        ],
        out_specs=pl.BlockSpec((BLK, OUT), _mlpblk),
        out_shape=jax.ShapeDtypeStruct((N_NODES, OUT), jnp.float32),
        scratch_shapes=[pltpu.VMEM((N_NODES, W), jnp.float32),
                        pltpu.VMEM((2, W), jnp.float32)],
    )(partial, partial, h, w1p, w1bp, gamp, betp, w2a, w2bp, b2)

    return out

# --- scband reference (transcript-rebuilt; emitter-appended) ---
"""Pipeline reference for scband-t1-layer-37271726195188 (READ-ONLY COPY).

The authoritative reference and input builder live on the scoring server;
editing this copy changes nothing except your own understanding.
"""

import jax, jax.numpy as jnp
import numpy as np

TOTAL_NODES = 10000
TOTAL_EVENTS = 160000
PREV = 128
AGG = PREV + 1  # 129
OUT = AGG + PREV  # 257
EPS = 1e-5


def setup_inputs(seed: int = 0) -> dict:
    key = jax.random.key(seed)
    ks = jax.random.split(key, 12)
    u = jax.random.randint(ks[0], (TOTAL_EVENTS,), 0, TOTAL_NODES)
    v = jax.random.randint(ks[1], (TOTAL_EVENTS,), 0, TOTAL_NODES)
    g = jax.random.normal(ks[2], (TOTAL_EVENTS, 1), dtype=jnp.float32)
    h = jax.random.normal(ks[3], (TOTAL_NODES, PREV), dtype=jnp.float32)
    # stale buffers that would be populated via remember(); randn for realism
    remember_u = jax.random.normal(ks[4], (TOTAL_EVENTS, PREV), dtype=jnp.float32) * 0.1
    remember_v = jax.random.normal(ks[5], (TOTAL_EVENTS, PREV), dtype=jnp.float32) * 0.1
    # learned parameters
    bn_gamma = jnp.ones((AGG,), dtype=jnp.float32)
    bn_beta = jnp.zeros((AGG,), dtype=jnp.float32)
    lim1 = 1.0 / np.sqrt(AGG)
    w1_w = jax.random.uniform(ks[6], (AGG, AGG), minval=-lim1, maxval=lim1, dtype=jnp.float32)
    w1_b = jax.random.uniform(ks[7], (AGG,), minval=-lim1, maxval=lim1, dtype=jnp.float32)
    lim2 = 1.0 / np.sqrt(OUT)
    w2_w = jax.random.uniform(ks[8], (OUT, OUT), minval=-lim2, maxval=lim2, dtype=jnp.float32)
    w2_b = jax.random.uniform(ks[9], (OUT,), minval=-lim2, maxval=lim2, dtype=jnp.float32)
    return {
        'u': u, 'v': v, 'g': g, 'h': h, 'event': TOTAL_EVENTS,
        'remember_u': remember_u, 'remember_v': remember_v,
        'bn_gamma': bn_gamma, 'bn_beta': bn_beta,
        'w1_w': w1_w, 'w1_b': w1_b, 'w2_w': w2_w, 'w2_b': w2_b,
    }


def reference(u, v, g, h, event, remember_u, remember_v, bn_gamma, bn_beta, w1_w, w1_b, w2_w, w2_b):
    n = remember_u.shape[0]
    row_mask = (jnp.arange(n) < event)[:, None]
    ru = jnp.where(row_mask, remember_u, 0.0)
    rv = jnp.where(row_mask, remember_v, 0.0)
    # src_u = cat(remember_u[:event], g); scatter_add into zeros[total_nodes, agg] along dim 0 at rows v
    src_u = jnp.concatenate([ru, g], axis=1)
    agg_v = jnp.zeros((TOTAL_NODES, AGG), dtype=jnp.float32).at[v].add(src_u)
    src_v = jnp.concatenate([rv, g], axis=1)
    agg_u = jnp.zeros((TOTAL_NODES, AGG), dtype=jnp.float32).at[u].add(src_v)
    agg = agg_u + agg_v
    # BatchNorm1d (training mode: batch statistics, biased variance)
    mean = jnp.mean(agg, axis=0)
    var = jnp.mean((agg - mean) ** 2, axis=0)
    normed = (agg - mean) / jnp.sqrt(var + EPS) * bn_gamma + bn_beta
    h1 = jax.nn.relu(normed @ w1_w.T + w1_b)
    out = jnp.concatenate([h, h1], axis=1) @ w2_w.T + w2_b
    return out

if __name__ == "__main__":
    import jax
    _d = setup_inputs()
    print(jax.jit(kernel)(*tuple(_d.values())))

</pallas_src>

<mosaic_0001>
#map = affine_map<(d0, d1) -> (0, 0)>
#map1 = affine_map<(d0, d1) -> (0)>
#map2 = affine_map<(d0, d1) -> (0, 0, 0)>
module attributes {stable_mosaic.version = 14 : i64} {
  func.func @sc_kernel(%arg0: i32, %arg1: i32, %arg2: memref<160000x128xf32, #tpu.memory_space<hbm>>, %arg3: memref<160000x128xf32, #tpu.memory_space<hbm>>, %arg4: memref<1250x128xi32, #tpu.memory_space<hbm>>, %arg5: memref<1250x128xi32, #tpu.memory_space<hbm>>, %arg6: memref<160000xf32, #tpu.memory_space<hbm>>, %arg7: memref<625x136xf32, #tpu.memory_space<hbm>>, %arg8: memref<2x10000x136xf32, #tpu.memory_space<hbm>>, %arg9: memref<10000x136xf32, #tpu.memory_space<vmem_shared>>, %arg10: memref<2x128x136xf32, #tpu.memory_space<vmem>>, %arg11: memref<2x128xi32, #tpu.memory_space<vmem>>, %arg12: memref<2x128xf32, #tpu.memory_space<vmem>>, %arg13: memref<!tpu.dma_semaphore, #tpu.memory_space<semaphore_mem>>, %arg14: memref<!tpu.dma_semaphore, #tpu.memory_space<semaphore_mem>>, %arg15: memref<!tpu.dma_semaphore, #tpu.memory_space<semaphore_mem>>, %arg16: memref<!tpu.dma_semaphore, #tpu.memory_space<semaphore_mem>>) attributes {dimension_semantics = [#tpu.dimension_semantics<core_parallel>, #tpu.dimension_semantics<subcore_parallel>], iteration_bounds = array<i64: 2, 16>, scalar_prefetch = 0 : i64, scratch_operands = 8 : i64, tpu.core_type = #tpu.core_type<sc_vector_subcore>, window_params = [{transform_indices = #map}, {transform_indices = #map}, {transform_indices = #map}, {transform_indices = #map}, {transform_indices = #map1}, {transform_indices = #map}, {transform_indices = #map2}]} {
    %mul3A = arith.constant 16 : i32
    %mul3A_0 = arith.muli %arg0, %mul3A : i32
    %add3A = arith.addi %mul3A_0, %arg1 : i32
    %mul3A_1 = arith.constant 40 : i32
    %mul3A_2 = arith.muli %add3A, %mul3A_1 : i32
    %lt3A = arith.constant 31 : i32
    %lt3A_3 = arith.cmpi slt, %add3A, %lt3A : i32
    %jit3A = arith.constant 20 : i32
    %jit3A_4 = arith.constant 5 : i32
    %select_n3A = arith.select %lt3A_3, %jit3A, %jit3A_4 : i32
    %mul3A_5 = arith.constant 625 : i32
    %mul3A_6 = arith.muli %arg1, %mul3A_5 : i32
    "tpu.region"() ({
      %run_scoped3A = tpu.sem_alloc : memref<!tpu.dma_semaphore, #tpu.memory_space<semaphore_mem>>
      %dma_start3A_105 = arith.constant 0 : i32
      %dma_start3A_106 = tpu.memref_slice %arg9[%mul3A_6, %dma_start3A_105] : memref<10000x136xf32, #tpu.memory_space<vmem_shared>> -> memref<625x136xf32, #tpu.memory_space<vmem_shared>>
      tpu.enqueue_dma source(%arg7 : memref<625x136xf32, #tpu.memory_space<hbm>>) target(%dma_start3A_106 : memref<625x136xf32, #tpu.memory_space<vmem_shared>>) target_semaphore(%run_scoped3A : memref<!tpu.dma_semaphore, #tpu.memory_space<semaphore_mem>>)
      %dma_wait3A = arith.constant 0 : i32
      %dma_wait3A_107 = tpu.memref_slice %arg9[%mul3A_6, %dma_wait3A] : memref<10000x136xf32, #tpu.memory_space<vmem_shared>> -> memref<625x136xf32, #tpu.memory_space<vmem_shared>>
      tpu.wait_dma2 semaphore(%run_scoped3A : memref<!tpu.dma_semaphore, #tpu.memory_space<semaphore_mem>>) src(%arg7 : memref<625x136xf32, #tpu.memory_space<hbm>>) dst(%dma_wait3A_107 : memref<625x136xf32, #tpu.memory_space<vmem_shared>>)
      tpu.yield
    }) : () -> ()
    %barrier3A = arith.constant 0 : index
    tpu.barrier barrier_id(%barrier3A)
    %mul3A_7 = arith.constant 2 : i32
    %mul3A_8 = arith.muli %select_n3A, %mul3A_7 : i32
    %add3A_9 = arith.constant 0 : i32
    %add3A_10 = arith.addi %mul3A_2, %add3A_9 : i32
    %mul3A_11 = arith.constant 128 : i32
    %mul3A_12 = arith.muli %add3A_10, %mul3A_11 : i32
    %dma_start3A = arith.constant 0 : i32
    %dma_start3A_13 = arith.constant 0 : i32
    %dma_start3A_14 = arith.constant 0 : i32
    %dma_start3A_15 = tpu.memref_slice %arg10[%dma_start3A, %dma_start3A_13, %dma_start3A_14] : memref<2x128x136xf32, #tpu.memory_space<vmem>> -> memref<1x128x128xf32, #tpu.memory_space<vmem>>
    %dma_start3A_16 = tpu.memref_squeeze %dma_start3A_15 : memref<1x128x128xf32, #tpu.memory_space<vmem>> -> memref<128x128xf32, #tpu.memory_space<vmem>>
    %dma_start3A_17 = arith.constant 0 : i32
    %dma_start3A_18 = tpu.memref_slice %arg2[%mul3A_12, %dma_start3A_17] : memref<160000x128xf32, #tpu.memory_space<hbm>> -> memref<128x128xf32, #tpu.memory_space<hbm>>
    %dma_start3A_19 = arith.constant 0 : i32
    %dma_start3A_20 = arith.constant 0 : i32
    %dma_start3A_21 = tpu.memref_slice %arg10[%dma_start3A, %dma_start3A_19, %dma_start3A_20] : memref<2x128x136xf32, #tpu.memory_space<vmem>> -> memref<1x128x128xf32, #tpu.memory_space<vmem>>
    %dma_start3A_22 = tpu.memref_squeeze %dma_start3A_21 : memref<1x128x128xf32, #tpu.memory_space<vmem>> -> memref<128x128xf32, #tpu.memory_space<vmem>>
    %dma_start3A_23 = arith.constant 0 : i32
    %dma_start3A_24 = tpu.memref_slice %arg2[%mul3A_12, %dma_start3A_23] : memref<160000x128xf32, #tpu.memory_space<hbm>> -> memref<128x128xf32, #tpu.memory_space<hbm>>
    tpu.enqueue_dma source(%dma_start3A_24 : memref<128x128xf32, #tpu.memory_space<hbm>>) target(%dma_start3A_22 : memref<128x128xf32, #tpu.memory_space<vmem>>) target_semaphore(%arg13 : memref<!tpu.dma_semaphore, #tpu.memory_space<semaphore_mem>>)
    %dma_start3A_25 = arith.constant 0 : i32
    %dma_start3A_26 = arith.constant 0 : i32
    %dma_start3A_27 = tpu.memref_slice %arg12[%dma_start3A_25, %dma_start3A_26] : memref<2x128xf32, #tpu.memory_space<vmem>> -> memref<1x128xf32, #tpu.memory_space<vmem>>
    %dma_start3A_28 = tpu.memref_squeeze %dma_start3A_27 : memref<1x128xf32, #tpu.memory_space<vmem>> -> memref<128xf32, #tpu.memory_space<vmem>>
    %dma_start3A_29 = tpu.memref_slice %arg6[%mul3A_12] : memref<160000xf32, #tpu.memory_space<hbm>> -> memref<128xf32, #tpu.memory_space<hbm>>
    %dma_start3A_30 = arith.constant 0 : i32
    %dma_start3A_31 = tpu.memref_slice %arg12[%dma_start3A_25, %dma_start3A_30] : memref<2x128xf32, #tpu.memory_space<vmem>> -> memref<1x128xf32, #tpu.memory_space<vmem>>
    %dma_start3A_32 = tpu.memref_squeeze %dma_start3A_31 : memref<1x128xf32, #tpu.memory_space<vmem>> -> memref<128xf32, #tpu.memory_space<vmem>>
    %dma_start3A_33 = tpu.memref_slice %arg6[%mul3A_12] : memref<160000xf32, #tpu.memory_space<hbm>> -> memref<128xf32, #tpu.memory_space<hbm>>
    tpu.enqueue_dma source(%dma_start3A_33 : memref<128xf32, #tpu.memory_space<hbm>>) target(%dma_start3A_32 : memref<128xf32, #tpu.memory_space<vmem>>) target_semaphore(%arg13 : memref<!tpu.dma_semaphore, #tpu.memory_space<semaphore_mem>>)
    %add3A_34 = arith.constant 0 : i32
    %add3A_35 = arith.addi %mul3A_2, %add3A_34 : i32
    %dma_start3A_36 = arith.constant 0 : i32
    %dma_start3A_37 = arith.constant 0 : i32
    %dma_start3A_38 = tpu.memref_slice %arg11[%dma_start3A_36, %dma_start3A_37] : memref<2x128xi32, #tpu.memory_space<vmem>> -> memref<1x128xi32, #tpu.memory_space<vmem>>
    %dma_start3A_39 = arith.constant 0 : i32
    %dma_start3A_40 = tpu.memref_slice %arg4[%add3A_35, %dma_start3A_39] : memref<1250x128xi32, #tpu.memory_space<hbm>> -> memref<1x128xi32, #tpu.memory_space<hbm>>
    %dma_start3A_41 = arith.constant 0 : i32
    %dma_start3A_42 = arith.constant 0 : i32
    %dma_start3A_43 = tpu.memref_slice %arg11[%dma_start3A_41, %dma_start3A_42] : memref<2x128xi32, #tpu.memory_space<vmem>> -> memref<1x128xi32, #tpu.memory_space<vmem>>
    %dma_start3A_44 = arith.constant 0 : i32
    %dma_start3A_45 = tpu.memref_slice %arg4[%add3A_35, %dma_start3A_44] : memref<1250x128xi32, #tpu.memory_space<hbm>> -> memref<1x128xi32, #tpu.memory_space<hbm>>
    tpu.enqueue_dma source(%dma_start3A_45 : memref<1x128xi32, #tpu.memory_space<hbm>>) target(%dma_start3A_43 : memref<1x128xi32, #tpu.memory_space<vmem>>) target_semaphore(%arg13 : memref<!tpu.dma_semaphore, #tpu.memory_space<semaphore_mem>>)
    %add3A_46 = arith.constant 0 : i32
    %add3A_47 = arith.addi %mul3A_2, %add3A_46 : i32
    %mul3A_48 = arith.constant 128 : i32
    %mul3A_49 = arith.muli %add3A_47, %mul3A_48 : i32
    %dma_start3A_50 = arith.constant 1 : i32
    %dma_start3A_51 = arith.constant 0 : i32
    %dma_start3A_52 = arith.constant 0 : i32
    %dma_start3A_53 = tpu.memref_slice %arg10[%dma_start3A_50, %dma_start3A_51, %dma_start3A_52] : memref<2x128x136xf32, #tpu.memory_space<vmem>> -> memref<1x128x128xf32, #tpu.memory_space<vmem>>
    %dma_start3A_54 = tpu.memref_squeeze %dma_start3A_53 : memref<1x128x128xf32, #tpu.memory_space<vmem>> -> memref<128x128xf32, #tpu.memory_space<vmem>>
    %dma_start3A_55 = arith.constant 0 : i32
    %dma_start3A_56 = tpu.memref_slice %arg3[%mul3A_49, %dma_start3A_55] : memref<160000x128xf32, #tpu.memory_space<hbm>> -> memref<128x128xf32, #tpu.memory_space<hbm>>
    %dma_start3A_57 = arith.constant 0 : i32
    %dma_start3A_58 = arith.constant 0 : i32
    %dma_start3A_59 = tpu.memref_slice %arg10[%dma_start3A_50, %dma_start3A_57, %dma_start3A_58] : memref<2x128x136xf32, #tpu.memory_space<vmem>> -> memref<1x128x128xf32, #tpu.memory_space<vmem>>
    %dma_start3A_60 = tpu.memref_squeeze %dma_start3A_59 : memref<1x128x128xf32, #tpu.memory_space<vmem>> -> memref<128x128xf32, #tpu.memory_space<vmem>>
    %dma_start3A_61 = arith.constant 0 : i32
    %dma_start3A_62 = tpu.memref_slice %arg3[%mul3A_49, %dma_start3A_61] : memref<160000x128xf32, #tpu.memory_space<hbm>> -> memref<128x128xf32, #tpu.memory_space<hbm>>
    tpu.enqueue_dma source(%dma_start3A_62 : memref<128x128xf32, #tpu.memory_space<hbm>>) target(%dma_start3A_60 : memref<128x128xf32, #tpu.memory_space<vmem>>) target_semaphore(%arg14 : memref<!tpu.dma_semaphore, #tpu.memory_space<semaphore_mem>>)
    %dma_start3A_63 = arith.constant 1 : i32
    %dma_start3A_64 = arith.constant 0 : i32
    %dma_start3A_65 = tpu.memref_slice %arg12[%dma_start3A_63, %dma_start3A_64] : memref<2x128xf32, #tpu.memory_space<vmem>> -> memref<1x128xf32, #tpu.memory_space<vmem>>
    %dma_start3A_66 = tpu.memref_squeeze %dma_start3A_65 : memref<1x128xf32, #tpu.memory_space<vmem>> -> memref<128xf32, #tpu.memory_space<vmem>>
    %dma_start3A_67 = tpu.memref_slice %arg6[%mul3A_49] : memref<160000xf32, #tpu.memory_space<hbm>> -> memref<128xf32, #tpu.memory_space<hbm>>
    %dma_start3A_68 = arith.constant 0 : i32
    %dma_start3A_69 = tpu.memref_slice %arg12[%dma_start3A_63, %dma_start3A_68] : memref<2x128xf32, #tpu.memory_space<vmem>> -> memref<1x128xf32, #tpu.memory_space<vmem>>
    %dma_start3A_70 = tpu.memref_squeeze %dma_start3A_69 : memref<1x128xf32, #tpu.memory_space<vmem>> -> memref<128xf32, #tpu.memory_space<vmem>>
    %dma_start3A_71 = tpu.memref_slice %arg6[%mul3A_49] : memref<160000xf32, #tpu.memory_space<hbm>> -> memref<128xf32, #tpu.memory_space<hbm>>
    tpu.enqueue_dma source(%dma_start3A_71 : memref<128xf32, #tpu.memory_space<hbm>>) target(%dma_start3A_70 : memref<128xf32, #tpu.memory_space<vmem>>) target_semaphore(%arg14 : memref<!tpu.dma_semaphore, #tpu.memory_space<semaphore_mem>>)
    %add3A_72 = arith.constant 0 : i32
    %add3A_73 = arith.addi %mul3A_2, %add3A_72 : i32
    %dma_start3A_74 = arith.constant 1 : i32
    %dma_start3A_75 = arith.constant 0 : i32
    %dma_start3A_76 = tpu.memref_slice %arg11[%dma_start3A_74, %dma_start3A_75] : memref<2x128xi32, #tpu.memory_space<vmem>> -> memref<1x128xi32, #tpu.memory_space<vmem>>
    %dma_start3A_77 = arith.constant 0 : i32
    %dma_start3A_78 = tpu.memref_slice %arg5[%add3A_73, %dma_start3A_77] : memref<1250x128xi32, #tpu.memory_space<hbm>> -> memref<1x128xi32, #tpu.memory_space<hbm>>
    %dma_start3A_79 = arith.constant 1 : i32
    %dma_start3A_80 = arith.constant 0 : i32
    %dma_start3A_81 = tpu.memref_slice %arg11[%dma_start3A_79, %dma_start3A_80] : memref<2x128xi32, #tpu.memory_space<vmem>> -> memref<1x128xi32, #tpu.memory_space<vmem>>
    %dma_start3A_82 = arith.constant 0 : i32
    %dma_start3A_83 = tpu.memref_slice %arg5[%add3A_73, %dma_start3A_82] : memref<1250x128xi32, #tpu.memory_space<hbm>> -> memref<1x128xi32, #tpu.memory_space<hbm>>
    tpu.enqueue_dma source(%dma_start3A_83 : memref<1x128xi32, #tpu.memory_space<hbm>>) target(%dma_start3A_81 : memref<1x128xi32, #tpu.memory_space<vmem>>) target_semaphore(%arg14 : memref<!tpu.dma_semaphore, #tpu.memory_space<semaphore_mem>>)
    %sub3A = arith.constant 0 : i32
    %sub3A_84 = arith.subi %mul3A_8, %sub3A : i32
    %sub3A_85 = arith.constant 1 : i32
    %sub3A_86 = arith.constant 1 : i32
    %sub3A_87 = arith.subi %sub3A_85, %sub3A_86 : i32
    %add3A_88 = arith.addi %sub3A_84, %sub3A_87 : i32
    %div3A = arith.constant 1 : i32
    %div3A_89 = arith.divsi %add3A_88, %div3A : i32
    %while3A = arith.constant 1 : i32
    %while3A_90 = arith.constant 0 : i32
    %while3A_91 = arith.constant 0 : i32
    %while3A_92 = arith.subi %div3A_89, %while3A_91 : i32
    %while3A_93 = arith.addi %while3A_91, %while3A_92 : i32
    %while3A_94 = arith.constant 1 : i32
    %while3A_95 = arith.divsi %while3A_92, %while3A_94 : i32
    %while3A_96 = arith.muli %while3A_95, %while3A_94 : i32
    %while3A_97 = arith.addi %while3A_91, %while3A_96 : i32
    %while3A_98 = arith.constant 1 : i32
    scf.for %while3A_105 = %while3A_91 to %while3A_97 step %while3A_98  : i32 {
      %mul3A_106 = arith.muli %while3A_105, %while3A : i32
      %add3A_107 = arith.addi %while3A_90, %mul3A_106 : i32
      %dma_wait3A = arith.constant 0 : i32
      %dma_wait3A_108 = arith.constant 0 : i32
      %dma_wait3A_109 = arith.constant 0 : i32
      %dma_wait3A_110 = tpu.memref_slice %arg10[%dma_wait3A, %dma_wait3A_108, %dma_wait3A_109] : memref<2x128x136xf32, #tpu.memory_space<vmem>> -> memref<1x128x128xf32, #tpu.memory_space<vmem>>
      %dma_wait3A_111 = tpu.memref_squeeze %dma_wait3A_110 : memref<1x128x128xf32, #tpu.memory_space<vmem>> -> memref<128x128xf32, #tpu.memory_space<vmem>>
      %dma_wait3A_112 = arith.constant 0 : i32
      %dma_wait3A_113 = arith.constant 0 : i32
      %dma_wait3A_114 = tpu.memref_slice %arg2[%dma_wait3A_112, %dma_wait3A_113] : memref<160000x128xf32, #tpu.memory_space<hbm>> -> memref<128x128xf32, #tpu.memory_space<hbm>>
      %dma_wait3A_115 = arith.constant 0 : i32
      %dma_wait3A_116 = arith.constant 0 : i32
      %dma_wait3A_117 = tpu.memref_slice %arg10[%dma_wait3A, %dma_wait3A_115, %dma_wait3A_116] : memref<2x128x136xf32, #tpu.memory_space<vmem>> -> memref<1x128x128xf32, #tpu.memory_space<vmem>>
      %dma_wait3A_118 = tpu.memref_squeeze %dma_wait3A_117 : memref<1x128x128xf32, #tpu.memory_space<vmem>> -> memref<128x128xf32, #tpu.memory_space<vmem>>
      %dma_wait3A_119 = arith.constant 0 : i32
      %dma_wait3A_120 = arith.constant 0 : i32
      %dma_wait3A_121 = tpu.memref_slice %arg2[%dma_wait3A_119, %dma_wait3A_120] : memref<160000x128xf32, #tpu.memory_space<hbm>> -> memref<128x128xf32, #tpu.memory_space<hbm>>
      tpu.wait_dma2 semaphore(%arg13 : memref<!tpu.dma_semaphore, #tpu.memory_space<semaphore_mem>>) src(%dma_wait3A_121 : memref<128x128xf32, #tpu.memory_space<hbm>>) dst(%dma_wait3A_118 : memref<128x128xf32, #tpu.memory_space<vmem>>)
      %dma_wait3A_122 = arith.constant 0 : i32
      %dma_wait3A_123 = arith.constant 0 : i32
      %dma_wait3A_124 = tpu.memref_slice %arg12[%dma_wait3A_122, %dma_wait3A_123] : memref<2x128xf32, #tpu.memory_space<vmem>> -> memref<1x128xf32, #tpu.memory_space<vmem>>
      %dma_wait3A_125 = tpu.memref_squeeze %dma_wait3A_124 : memref<1x128xf32, #tpu.memory_space<vmem>> -> memref<128xf32, #tpu.memory_space<vmem>>
      %dma_wait3A_126 = arith.constant 0 : i32
      %dma_wait3A_127 = tpu.memref_slice %arg6[%dma_wait3A_126] : memref<160000xf32, #tpu.memory_space<hbm>> -> memref<128xf32, #tpu.memory_space<hbm>>
      %dma_wait3A_128 = arith.constant 0 : i32
      %dma_wait3A_129 = tpu.memref_slice %arg12[%dma_wait3A_122, %dma_wait3A_128] : memref<2x128xf32, #tpu.memory_space<vmem>> -> memref<1x128xf32, #tpu.memory_space<vmem>>
      %dma_wait3A_130 = tpu.memref_squeeze %dma_wait3A_129 : memref<1x128xf32, #tpu.memory_space<vmem>> -> memref<128xf32, #tpu.memory_space<vmem>>
      %dma_wait3A_131 = arith.constant 0 : i32
      %dma_wait3A_132 = tpu.memref_slice %arg6[%dma_wait3A_131] : memref<160000xf32, #tpu.memory_space<hbm>> -> memref<128xf32, #tpu.memory_space<hbm>>
      tpu.wait_dma2 semaphore(%arg13 : memref<!tpu.dma_semaphore, #tpu.memory_space<semaphore_mem>>) src(%dma_wait3A_132 : memref<128xf32, #tpu.memory_space<hbm>>) dst(%dma_wait3A_130 : memref<128xf32, #tpu.memory_space<vmem>>)
      %iota3A = tpu.iota {dimensions = array<i32: 0>} : vector<16xi32>
      %broadcast_in_dim3A = arith.constant 128 : i32
      %broadcast_in_dim3A_133 = vector.broadcast %broadcast_in_dim3A : i32 to vector<16xi32>
      %add3A_134 = arith.constant 0 : i32
      %add3A_135 = vector.broadcast %add3A_134 : i32 to vector<16xi32>
      %add3A_136 = arith.addi %iota3A, %add3A_135 : vector<16xi32>
      %get3A = arith.constant 0 : i32
      %get3A_137 = arith.index_cast %get3A : i32 to index
      %get3A_138 = arith.constant 0 : index
      %get3A_139 = tpu.vector_load %arg12[%get3A_137, %get3A_138] {strides = array<i32>} : memref<2x128xf32, #tpu.memory_space<vmem>>, vector<16xf32>,
      %scatter3A = arith.constant 0 : i32
      %scatter3A_140 = arith.constant 0 : i32
      %scatter3A_141 = arith.constant 0 : i32
      %scatter3A_142 = tpu.memref_slice %arg10[%scatter3A, %scatter3A_140, %scatter3A_141] : memref<2x128x136xf32, #tpu.memory_space<vmem>> -> memref<1x128x136xf32, #tpu.memory_space<vmem>>
      %scatter3A_143 = tpu.memref_squeeze %scatter3A_142 : memref<1x128x136xf32, #tpu.memory_space<vmem>> -> memref<128x136xf32, #tpu.memory_space<vmem>>
      tpu.vector_store_idx %scatter3A_143[%add3A_136, %broadcast_in_dim3A_133], %get3A_139 : memref<128x136xf32, #tpu.memory_space<vmem>>[vector<16xi32>, vector<16xi32>], vector<16xf32>,
      %add3A_144 = arith.constant 16 : i32
      %add3A_145 = vector.broadcast %add3A_144 : i32 to vector<16xi32>
      %add3A_146 = arith.addi %iota3A, %add3A_145 : vector<16xi32>
      %get3A_147 = arith.constant 0 : i32
      %get3A_148 = arith.index_cast %get3A_147 : i32 to index
      %get3A_149 = arith.constant 16 : index
      %get3A_150 = tpu.vector_load %arg12[%get3A_148, %get3A_149] {strides = array<i32>} : memref<2x128xf32, #tpu.memory_space<vmem>>, vector<16xf32>,
      %scatter3A_151 = arith.constant 0 : i32
      %scatter3A_152 = arith.constant 0 : i32
      %scatter3A_153 = arith.constant 0 : i32
      %scatter3A_154 = tpu.memref_slice %arg10[%scatter3A_151, %scatter3A_152, %scatter3A_153] : memref<2x128x136xf32, #tpu.memory_space<vmem>> -> memref<1x128x136xf32, #tpu.memory_space<vmem>>
      %scatter3A_155 = tpu.memref_squeeze %scatter3A_154 : memref<1x128x136xf32, #tpu.memory_space<vmem>> -> memref<128x136xf32, #tpu.memory_space<vmem>>
      tpu.vector_store_idx %scatter3A_155[%add3A_146, %broadcast_in_dim3A_133], %get3A_150 : memref<128x136xf32, #tpu.memory_space<vmem>>[vector<16xi32>, vector<16xi32>], vector<16xf32>,
      %add3A_156 = arith.constant 32 : i32
      %add3A_157 = vector.broadcast %add3A_156 : i32 to vector<16xi32>
      %add3A_158 = arith.addi %iota3A, %add3A_157 : vector<16xi32>
      %get3A_159 = arith.constant 0 : i32
      %get3A_160 = arith.index_cast %get3A_159 : i32 to index
      %get3A_161 = arith.constant 32 : index
      %get3A_162 = tpu.vector_load %arg12[%get3A_160, %get3A_161] {strides = array<i32>} : memref<2x128xf32, #tpu.memory_space<vmem>>, vector<16xf32>,
      %scatter3A_163 = arith.constant 0 : i32
      %scatter3A_164 = arith.constant 0 : i32
      %scatter3A_165 = arith.constant 0 : i32
      %scatter3A_166 = tpu.memref_slice %arg10[%scatter3A_163, %scatter3A_164, %scatter3A_165] : memref<2x128x136xf32, #tpu.memory_space<vmem>> -> memref<1x128x136xf32, #tpu.memory_space<vmem>>
      %scatter3A_167 = tpu.memref_squeeze %scatter3A_166 : memref<1x128x136xf32, #tpu.memory_space<vmem>> -> memref<128x136xf32, #tpu.memory_space<vmem>>
      tpu.vector_store_idx %scatter3A_167[%add3A_158, %broadcast_in_dim3A_133], %get3A_162 : memref<128x136xf32, #tpu.memory_space<vmem>>[vector<16xi32>, vector<16xi32>], vector<16xf32>,
      %add3A_168 = arith.constant 48 : i32
      %add3A_169 = vector.broadcast %add3A_168 : i32 to vector<16xi32>
      %add3A_170 = arith.addi %iota3A, %add3A_169 : vector<16xi32>
      %get3A_171 = arith.constant 0 : i32
      %get3A_172 = arith.index_cast %get3A_171 : i32 to index
      %get3A_173 = arith.constant 48 : index
      %get3A_174 = tpu.vector_load %arg12[%get3A_172, %get3A_173] {strides = array<i32>} : memref<2x128xf32, #tpu.memory_space<vmem>>, vector<16xf32>,
      %scatter3A_175 = arith.constant 0 : i32
      %scatter3A_176 = arith.constant 0 : i32
      %scatter3A_177 = arith.constant 0 : i32
      %scatter3A_178 = tpu.memref_slice %arg10[%scatter3A_175, %scatter3A_176, %scatter3A_177] : memref<2x128x136xf32, #tpu.memory_space<vmem>> -> memref<1x128x136xf32, #tpu.memory_space<vmem>>
      %scatter3A_179 = tpu.memref_squeeze %scatter3A_178 : memref<1x128x136xf32, #tpu.memory_space<vmem>> -> memref<128x136xf32, #tpu.memory_space<vmem>>
      tpu.vector_store_idx %scatter3A_179[%add3A_170, %broadcast_in_dim3A_133], %get3A_174 : memref<128x136xf32, #tpu.memory_space<vmem>>[vector<16xi32>, vector<16xi32>], vector<16xf32>,
      %add3A_180 = arith.constant 64 : i32
      %add3A_181 = vector.broadcast %add3A_180 : i32 to vector<16xi32>
      %add3A_182 = arith.addi %iota3A, %add3A_181 : vector<16xi32>
      %get3A_183 = arith.constant 0 : i32
      %get3A_184 = arith.index_cast %get3A_183 : i32 to index
      %get3A_185 = arith.constant 64 : index
      %get3A_186 = tpu.vector_load %arg12[%get3A_184, %get3A_185] {strides = array<i32>} : memref<2x128xf32, #tpu.memory_space<vmem>>, vector<16xf32>,
      %scatter3A_187 = arith.constant 0 : i32
      %scatter3A_188 = arith.constant 0 : i32
      %scatter3A_189 = arith.constant 0 : i32
      %scatter3A_190 = tpu.memref_slice %arg10[%scatter3A_187, %scatter3A_188, %scatter3A_189] : memref<2x128x136xf32, #tpu.memory_space<vmem>> -> memref<1x128x136xf32, #tpu.memory_space<vmem>>
      %scatter3A_191 = tpu.memref_squeeze %scatter3A_190 : memref<1x128x136xf32, #tpu.memory_space<vmem>> -> memref<128x136xf32, #tpu.memory_space<vmem>>
      tpu.vector_store_idx %scatter3A_191[%add3A_182, %broadcast_in_dim3A_133], %get3A_186 : memref<128x136xf32, #tpu.memory_space<vmem>>[vector<16xi32>, vector<16xi32>], vector<16xf32>,
      %add3A_192 = arith.constant 80 : i32
      %add3A_193 = vector.broadcast %add3A_192 : i32 to vector<16xi32>
      %add3A_194 = arith.addi %iota3A, %add3A_193 : vector<16xi32>
      %get3A_195 = arith.constant 0 : i32
      %get3A_196 = arith.index_cast %get3A_195 : i32 to index
      %get3A_197 = arith.constant 80 : index
      %get3A_198 = tpu.vector_load %arg12[%get3A_196, %get3A_197] {strides = array<i32>} : memref<2x128xf32, #tpu.memory_space<vmem>>, vector<16xf32>,
      %scatter3A_199 = arith.constant 0 : i32
      %scatter3A_200 = arith.constant 0 : i32
      %scatter3A_201 = arith.constant 0 : i32
      %scatter3A_202 = tpu.memref_slice %arg10[%scatter3A_199, %scatter3A_200, %scatter3A_201] : memref<2x128x136xf32, #tpu.memory_space<vmem>> -> memref<1x128x136xf32, #tpu.memory_space<vmem>>
      %scatter3A_203 = tpu.memref_squeeze %scatter3A_202 : memref<1x128x136xf32, #tpu.memory_space<vmem>> -> memref<128x136xf32, #tpu.memory_space<vmem>>
      tpu.vector_store_idx %scatter3A_203[%add3A_194, %broadcast_in_dim3A_133], %get3A_198 : memref<128x136xf32, #tpu.memory_space<vmem>>[vector<16xi32>, vector<16xi32>], vector<16xf32>,
      %add3A_204 = arith.constant 96 : i32
      %add3A_205 = vector.broadcast %add3A_204 : i32 to vector<16xi32>
      %add3A_206 = arith.addi %iota3A, %add3A_205 : vector<16xi32>
      %get3A_207 = arith.constant 0 : i32
      %get3A_208 = arith.index_cast %get3A_207 : i32 to index
      %get3A_209 = arith.constant 96 : index
      %get3A_210 = tpu.vector_load %arg12[%get3A_208, %get3A_209] {strides = array<i32>} : memref<2x128xf32, #tpu.memory_space<vmem>>, vector<16xf32>,
      %scatter3A_211 = arith.constant 0 : i32
      %scatter3A_212 = arith.constant 0 : i32
      %scatter3A_213 = arith.constant 0 : i32
      %scatter3A_214 = tpu.memref_slice %arg10[%scatter3A_211, %scatter3A_212, %scatter3A_213] : memref<2x128x136xf32, #tpu.memory_space<vmem>> -> memref<1x128x136xf32, #tpu.memory_space<vmem>>
      %scatter3A_215 = tpu.memref_squeeze %scatter3A_214 : memref<1x128x136xf32, #tpu.memory_space<vmem>> -> memref<128x136xf32, #tpu.memory_space<vmem>>
      tpu.vector_store_idx %scatter3A_215[%add3A_206, %broadcast_in_dim3A_133], %get3A_210 : memref<128x136xf32, #tpu.memory_space<vmem>>[vector<16xi32>, vector<16xi32>], vector<16xf32>,
      %add3A_216 = arith.constant 112 : i32
      %add3A_217 = vector.broadcast %add3A_216 : i32 to vector<16xi32>
      %add3A_218 = arith.addi %iota3A, %add3A_217 : vector<16xi32>
      %get3A_219 = arith.constant 0 : i32
      %get3A_220 = arith.index_cast %get3A_219 : i32 to index
      %get3A_221 = arith.constant 112 : index
      %get3A_222 = tpu.vector_load %arg12[%get3A_220, %get3A_221] {strides = array<i32>} : memref<2x128xf32, #tpu.memory_space<vmem>>, vector<16xf32>,
      %scatter3A_223 = arith.constant 0 : i32
      %scatter3A_224 = arith.constant 0 : i32
      %scatter3A_225 = arith.constant 0 : i32
      %scatter3A_226 = tpu.memref_slice %arg10[%scatter3A_223, %scatter3A_224, %scatter3A_225] : memref<2x128x136xf32, #tpu.memory_space<vmem>> -> memref<1x128x136xf32, #tpu.memory_space<vmem>>
      %scatter3A_227 = tpu.memref_squeeze %scatter3A_226 : memref<1x128x136xf32, #tpu.memory_space<vmem>> -> memref<128x136xf32, #tpu.memory_space<vmem>>
      tpu.vector_store_idx %scatter3A_227[%add3A_218, %broadcast_in_dim3A_133], %get3A_222 : memref<128x136xf32, #tpu.memory_space<vmem>>[vector<16xi32>, vector<16xi32>], vector<16xf32>,
      %dma_wait3A_228 = arith.constant 0 : i32
      %dma_wait3A_229 = arith.constant 0 : i32
      %dma_wait3A_230 = tpu.memref_slice %arg11[%dma_wait3A_228, %dma_wait3A_229] : memref<2x128xi32, #tpu.memory_space<vmem>> -> memref<1x128xi32, #tpu.memory_space<vmem>>
      %dma_wait3A_231 = arith.constant 0 : i32
      %dma_wait3A_232 = arith.constant 0 : i32
      %dma_wait3A_233 = tpu.memref_slice %arg4[%dma_wait3A_231, %dma_wait3A_232] : memref<1250x128xi32, #tpu.memory_space<hbm>> -> memref<1x128xi32, #tpu.memory_space<hbm>>
      %dma_wait3A_234 = arith.constant 0 : i32
      %dma_wait3A_235 = arith.constant 0 : i32
      %dma_wait3A_236 = tpu.memref_slice %arg11[%dma_wait3A_234, %dma_wait3A_235] : memref<2x128xi32, #tpu.memory_space<vmem>> -> memref<1x128xi32, #tpu.memory_space<vmem>>
      %dma_wait3A_237 = arith.constant 0 : i32
      %dma_wait3A_238 = arith.constant 0 : i32
      %dma_wait3A_239 = tpu.memref_slice %arg4[%dma_wait3A_237, %dma_wait3A_238] : memref<1250x128xi32, #tpu.memory_space<hbm>> -> memref<1x128xi32, #tpu.memory_space<hbm>>
      tpu.wait_dma2 semaphore(%arg13 : memref<!tpu.dma_semaphore, #tpu.memory_space<semaphore_mem>>) src(%dma_wait3A_239 : memref<1x128xi32, #tpu.memory_space<hbm>>) dst(%dma_wait3A_236 : memref<1x128xi32, #tpu.memory_space<vmem>>)
      %dma_start3A_240 = arith.constant 0 : i32
      %dma_start3A_241 = arith.constant 0 : i32
      %dma_start3A_242 = arith.constant 0 : i32
      %dma_start3A_243 = arith.constant 0 : i32
      %dma_start3A_244 = tpu.memref_slice %arg10[%dma_start3A_240, %dma_start3A_242, %dma_start3A_243] : memref<2x128x136xf32, #tpu.memory_space<vmem>> -> memref<1x128x136xf32, #tpu.memory_space<vmem>>
      %dma_start3A_245 = tpu.memref_squeeze %dma_start3A_244 : memref<1x128x136xf32, #tpu.memory_space<vmem>> -> memref<128x136xf32, #tpu.memory_space<vmem>>
      %dma_start3A_246 = arith.constant 0 : i32
      %dma_start3A_247 = tpu.memref_slice %arg11[%dma_start3A_241, %dma_start3A_246] : memref<2x128xi32, #tpu.memory_space<vmem>> -> memref<1x128xi32, #tpu.memory_space<vmem>>
      %dma_start3A_248 = tpu.memref_squeeze %dma_start3A_247 : memref<1x128xi32, #tpu.memory_space<vmem>> -> memref<128xi32, #tpu.memory_space<vmem>>
      %dma_start3A_249 = arith.constant 0 : i32
      %dma_start3A_250 = arith.constant 0 : i32
      %dma_start3A_251 = tpu.memref_slice %arg9[%dma_start3A_249, %dma_start3A_250] : memref<10000x136xf32, #tpu.memory_space<vmem_shared>> -> memref<10000x136xf32, #tpu.memory_space<vmem_shared>>
      tpu.enqueue_indirect_dma source(%dma_start3A_245 : memref<128x136xf32, #tpu.memory_space<vmem>>) target(%dma_start3A_251 : memref<10000x136xf32, #tpu.memory_space<vmem_shared>>) offsets(%dma_start3A_248 : memref<128xi32, #tpu.memory_space<vmem>>) semaphore(%arg15 : memref<!tpu.dma_semaphore, #tpu.memory_space<semaphore_mem>>) {add = true}
      %dma_wait3A_252 = arith.constant 1 : i32
      %dma_wait3A_253 = arith.constant 0 : i32
      %dma_wait3A_254 = arith.constant 0 : i32
      %dma_wait3A_255 = tpu.memref_slice %arg10[%dma_wait3A_252, %dma_wait3A_253, %dma_wait3A_254] : memref<2x128x136xf32, #tpu.memory_space<vmem>> -> memref<1x128x128xf32, #tpu.memory_space<vmem>>
      %dma_wait3A_256 = tpu.memref_squeeze %dma_wait3A_255 : memref<1x128x128xf32, #tpu.memory_space<vmem>> -> memref<128x128xf32, #tpu.memory_space<vmem>>
      %dma_wait3A_257 = arith.constant 0 : i32
      %dma_wait3A_258 = arith.constant 0 : i32
      %dma_wait3A_259 = tpu.memref_slice %arg3[%dma_wait3A_257, %dma_wait3A_258] : memref<160000x128xf32, #tpu.memory_space<hbm>> -> memref<128x128xf32, #tpu.memory_space<hbm>>
      %dma_wait3A_260 = arith.constant 0 : i32
      %dma_wait3A_261 = arith.constant 0 : i32
      %dma_wait3A_262 = tpu.memref_slice %arg10[%dma_wait3A_252, %dma_wait3A_260, %dma_wait3A_261] : memref<2x128x136xf32, #tpu.memory_space<vmem>> -> memref<1x128x128xf32, #tpu.memory_space<vmem>>
      %dma_wait3A_263 = tpu.memref_squeeze %dma_wait3A_262 : memref<1x128x128xf32, #tpu.memory_space<vmem>> -> memref<128x128xf32, #tpu.memory_space<vmem>>
      %dma_wait3A_264 = arith.constant 0 : i32
      %dma_wait3A_265 = arith.constant 0 : i32
      %dma_wait3A_266 = tpu.memref_slice %arg3[%dma_wait3A_264, %dma_wait3A_265] : memref<160000x128xf32, #tpu.memory_space<hbm>> -> memref<128x128xf32, #tpu.memory_space<hbm>>
      tpu.wait_dma2 semaphore(%arg14 : memref<!tpu.dma_semaphore, #tpu.memory_space<semaphore_mem>>) src(%dma_wait3A_266 : memref<128x128xf32, #tpu.memory_space<hbm>>) dst(%dma_wait3A_263 : memref<128x128xf32, #tpu.memory_space<vmem>>)
      %dma_wait3A_267 = arith.constant 1 : i32
      %dma_wait3A_268 = arith.constant 0 : i32
      %dma_wait3A_269 = tpu.memref_slice %arg12[%dma_wait3A_267, %dma_wait3A_268] : memref<2x128xf32, #tpu.memory_space<vmem>> -> memref<1x128xf32, #tpu.memory_space<vmem>>
      %dma_wait3A_270 = tpu.memref_squeeze %dma_wait3A_269 : memref<1x128xf32, #tpu.memory_space<vmem>> -> memref<128xf32, #tpu.memory_space<vmem>>
      %dma_wait3A_271 = arith.constant 0 : i32
      %dma_wait3A_272 = tpu.memref_slice %arg6[%dma_wait3A_271] : memref<160000xf32, #tpu.memory_space<hbm>> -> memref<128xf32, #tpu.memory_space<hbm>>
      %dma_wait3A_273 = arith.constant 0 : i32
      %dma_wait3A_274 = tpu.memref_slice %arg12[%dma_wait3A_267, %dma_wait3A_273] : memref<2x128xf32, #tpu.memory_space<vmem>> -> memref<1x128xf32, #tpu.memory_space<vmem>>
      %dma_wait3A_275 = tpu.memref_squeeze %dma_wait3A_274 : memref<1x128xf32, #tpu.memory_space<vmem>> -> memref<128xf32, #tpu.memory_space<vmem>>
      %dma_wait3A_276 = arith.constant 0 : i32
      %dma_wait3A_277 = tpu.memref_slice %arg6[%dma_wait3A_276] : memref<160000xf32, #tpu.memory_space<hbm>> -> memref<128xf32, #tpu.memory_space<hbm>>
      tpu.wait_dma2 semaphore(%arg14 : memref<!tpu.dma_semaphore, #tpu.memory_space<semaphore_mem>>) src(%dma_wait3A_277 : memref<128xf32, #tpu.memory_space<hbm>>) dst(%dma_wait3A_275 : memref<128xf32, #tpu.memory_space<vmem>>)
      %iota3A_278 = tpu.iota {dimensions = array<i32: 0>} : vector<16xi32>
      %broadcast_in_dim3A_279 = arith.constant 128 : i32
      %broadcast_in_dim3A_280 = vector.broadcast %broadcast_in_dim3A_279 : i32 to vector<16xi32>
      %add3A_281 = arith.constant 0 : i32
      %add3A_282 = vector.broadcast %add3A_281 : i32 to vector<16xi32>
      %add3A_283 = arith.addi %iota3A_278, %add3A_282 : vector<16xi32>
      %get3A_284 = arith.constant 1 : i32
      %get3A_285 = arith.index_cast %get3A_284 : i32 to index
      %get3A_286 = arith.constant 0 : index
      %get3A_287 = tpu.vector_load %arg12[%get3A_285, %get3A_286] {strides = array<i32>} : memref<2x128xf32, #tpu.memory_space<vmem>>, vector<16xf32>,
      %scatter3A_288 = arith.constant 1 : i32
      %scatter3A_289 = arith.constant 0 : i32
      %scatter3A_290 = arith.constant 0 : i32
      %scatter3A_291 = tpu.memref_slice %arg10[%scatter3A_288, %scatter3A_289, %scatter3A_290] : memref<2x128x136xf32, #tpu.memory_space<vmem>> -> memref<1x128x136xf32, #tpu.memory_space<vmem>>
      %scatter3A_292 = tpu.memref_squeeze %scatter3A_291 : memref<1x128x136xf32, #tpu.memory_space<vmem>> -> memref<128x136xf32, #tpu.memory_space<vmem>>
      tpu.vector_store_idx %scatter3A_292[%add3A_283, %broadcast_in_dim3A_280], %get3A_287 : memref<128x136xf32, #tpu.memory_space<vmem>>[vector<16xi32>, vector<16xi32>], vector<16xf32>,
      %add3A_293 = arith.constant 16 : i32
      %add3A_294 = vector.broadcast %add3A_293 : i32 to vector<16xi32>
      %add3A_295 = arith.addi %iota3A_278, %add3A_294 : vector<16xi32>
      %get3A_296 = arith.constant 1 : i32
      %get3A_297 = arith.index_cast %get3A_296 : i32 to index
      %get3A_298 = arith.constant 16 : index
      %get3A_299 = tpu.vector_load %arg12[%get3A_297, %get3A_298] {strides = array<i32>} : memref<2x128xf32, #tpu.memory_space<vmem>>, vector<16xf32>,
      %scatter3A_300 = arith.constant 1 : i32
      %scatter3A_301 = arith.constant 0 : i32
      %scatter3A_302 = arith.constant 0 : i32
      %scatter3A_303 = tpu.memref_slice %arg10[%scatter3A_300, %scatter3A_301, %scatter3A_302] : memref<2x128x136xf32, #tpu.memory_space<vmem>> -> memref<1x128x136xf32, #tpu.memory_space<vmem>>
      %scatter3A_304 = tpu.memref_squeeze %scatter3A_303 : memref<1x128x136xf32, #tpu.memory_space<vmem>> -> memref<128x136xf32, #tpu.memory_space<vmem>>
      tpu.vector_store_idx %scatter3A_304[%add3A_295, %broadcast_in_dim3A_280], %get3A_299 : memref<128x136xf32, #tpu.memory_space<vmem>>[vector<16xi32>, vector<16xi32>], vector<16xf32>,
      %add3A_305 = arith.constant 32 : i32
      %add3A_306 = vector.broadcast %add3A_305 : i32 to vector<16xi32>
      %add3A_307 = arith.addi %iota3A_278, %add3A_306 : vector<16xi32>
      %get3A_308 = arith.constant 1 : i32
      %get3A_309 = arith.index_cast %get3A_308 : i32 to index
      %get3A_310 = arith.constant 32 : index
      %get3A_311 = tpu.vector_load %arg12[%get3A_309, %get3A_310] {strides = array<i32>} : memref<2x128xf32, #tpu.memory_space<vmem>>, vector<16xf32>,
      %scatter3A_312 = arith.constant 1 : i32
      %scatter3A_313 = arith.constant 0 : i32
      %scatter3A_314 = arith.constant 0 : i32
      %scatter3A_315 = tpu.memref_slice %arg10[%scatter3A_312, %scatter3A_313, %scatter3A_314] : memref<2x128x136xf32, #tpu.memory_space<vmem>> -> memref<1x128x136xf32, #tpu.memory_space<vmem>>
      %scatter3A_316 = tpu.memref_squeeze %scatter3A_315 : memref<1x128x136xf32, #tpu.memory_space<vmem>> -> memref<128x136xf32, #tpu.memory_space<vmem>>
      tpu.vector_store_idx %scatter3A_316[%add3A_307, %broadcast_in_dim3A_280], %get3A_311 : memref<128x136xf32, #tpu.memory_space<vmem>>[vector<16xi32>, vector<16xi32>], vector<16xf32>,
      %add3A_317 = arith.constant 48 : i32
      %add3A_318 = vector.broadcast %add3A_317 : i32 to vector<16xi32>
      %add3A_319 = arith.addi %iota3A_278, %add3A_318 : vector<16xi32>
      %get3A_320 = arith.constant 1 : i32
      %get3A_321 = arith.index_cast %get3A_320 : i32 to index
      %get3A_322 = arith.constant 48 : index
      %get3A_323 = tpu.vector_load %arg12[%get3A_321, %get3A_322] {strides = array<i32>} : memref<2x128xf32, #tpu.memory_space<vmem>>, vector<16xf32>,
      %scatter3A_324 = arith.constant 1 : i32
      %scatter3A_325 = arith.constant 0 : i32
      %scatter3A_326 = arith.constant 0 : i32
      %scatter3A_327 = tpu.memref_slice %arg10[%scatter3A_324, %scatter3A_325, %scatter3A_326] : memref<2x128x136xf32, #tpu.memory_space<vmem>> -> memref<1x128x136xf32, #tpu.memory_space<vmem>>
      %scatter3A_328 = tpu.memref_squeeze %scatter3A_327 : memref<1x128x136xf32, #tpu.memory_space<vmem>> -> memref<128x136xf32, #tpu.memory_space<vmem>>
      tpu.vector_store_idx %scatter3A_328[%add3A_319, %broadcast_in_dim3A_280], %get3A_323 : memref<128x136xf32, #tpu.memory_space<vmem>>[vector<16xi32>, vector<16xi32>], vector<16xf32>,
      %add3A_329 = arith.constant 64 : i32
      %add3A_330 = vector.broadcast %add3A_329 : i32 to vector<16xi32>
      %add3A_331 = arith.addi %iota3A_278, %add3A_330 : vector<16xi32>
      %get3A_332 = arith.constant 1 : i32
      %get3A_333 = arith.index_cast %get3A_332 : i32 to index
      %get3A_334 = arith.constant 64 : index
      %get3A_335 = tpu.vector_load %arg12[%get3A_333, %get3A_334] {strides = array<i32>} : memref<2x128xf32, #tpu.memory_space<vmem>>, vector<16xf32>,
      %scatter3A_336 = arith.constant 1 : i32
      %scatter3A_337 = arith.constant 0 : i32
      %scatter3A_338 = arith.constant 0 : i32
      %scatter3A_339 = tpu.memref_slice %arg10[%scatter3A_336, %scatter3A_337, %scatter3A_338] : memref<2x128x136xf32, #tpu.memory_space<vmem>> -> memref<1x128x136xf32, #tpu.memory_space<vmem>>
      %scatter3A_340 = tpu.memref_squeeze %scatter3A_339 : memref<1x128x136xf32, #tpu.memory_space<vmem>> -> memref<128x136xf32, #tpu.memory_space<vmem>>
      tpu.vector_store_idx %scatter3A_340[%add3A_331, %broadcast_in_dim3A_280], %get3A_335 : memref<128x136xf32, #tpu.memory_space<vmem>>[vector<16xi32>, vector<16xi32>], vector<16xf32>,
      %add3A_341 = arith.constant 80 : i32
      %add3A_342 = vector.broadcast %add3A_341 : i32 to vector<16xi32>
      %add3A_343 = arith.addi %iota3A_278, %add3A_342 : vector<16xi32>
      %get3A_344 = arith.constant 1 : i32
      %get3A_345 = arith.index_cast %get3A_344 : i32 to index
      %get3A_346 = arith.constant 80 : index
      %get3A_347 = tpu.vector_load %arg12[%get3A_345, %get3A_346] {strides = array<i32>} : memref<2x128xf32, #tpu.memory_space<vmem>>, vector<16xf32>,
      %scatter3A_348 = arith.constant 1 : i32
      %scatter3A_349 = arith.constant 0 : i32
      %scatter3A_350 = arith.constant 0 : i32
      %scatter3A_351 = tpu.memref_slice %arg10[%scatter3A_348, %scatter3A_349, %scatter3A_350] : memref<2x128x136xf32, #tpu.memory_space<vmem>> -> memref<1x128x136xf32, #tpu.memory_space<vmem>>
      %scatter3A_352 = tpu.memref_squeeze %scatter3A_351 : memref<1x128x136xf32, #tpu.memory_space<vmem>> -> memref<128x136xf32, #tpu.memory_space<vmem>>
      tpu.vector_store_idx %scatter3A_352[%add3A_343, %broadcast_in_dim3A_280], %get3A_347 : memref<128x136xf32, #tpu.memory_space<vmem>>[vector<16xi32>, vector<16xi32>], vector<16xf32>,
      %add3A_353 = arith.constant 96 : i32
      %add3A_354 = vector.broadcast %add3A_353 : i32 to vector<16xi32>
      %add3A_355 = arith.addi %iota3A_278, %add3A_354 : vector<16xi32>
      %get3A_356 = arith.constant 1 : i32
      %get3A_357 = arith.index_cast %get3A_356 : i32 to index
      %get3A_358 = arith.constant 96 : index
      %get3A_359 = tpu.vector_load %arg12[%get3A_357, %get3A_358] {strides = array<i32>} : memref<2x128xf32, #tpu.memory_space<vmem>>, vector<16xf32>,
      %scatter3A_360 = arith.constant 1 : i32
      %scatter3A_361 = arith.constant 0 : i32
      %scatter3A_362 = arith.constant 0 : i32
      %scatter3A_363 = tpu.memref_slice %arg10[%scatter3A_360, %scatter3A_361, %scatter3A_362] : memref<2x128x136xf32, #tpu.memory_space<vmem>> -> memref<1x128x136xf32, #tpu.memory_space<vmem>>
      %scatter3A_364 = tpu.memref_squeeze %scatter3A_363 : memref<1x128x136xf32, #tpu.memory_space<vmem>> -> memref<128x136xf32, #tpu.memory_space<vmem>>
      tpu.vector_store_idx %scatter3A_364[%add3A_355, %broadcast_in_dim3A_280], %get3A_359 : memref<128x136xf32, #tpu.memory_space<vmem>>[vector<16xi32>, vector<16xi32>], vector<16xf32>,
      %add3A_365 = arith.constant 112 : i32
      %add3A_366 = vector.broadcast %add3A_365 : i32 to vector<16xi32>
      %add3A_367 = arith.addi %iota3A_278, %add3A_366 : vector<16xi32>
      %get3A_368 = arith.constant 1 : i32
      %get3A_369 = arith.index_cast %get3A_368 : i32 to index
      %get3A_370 = arith.constant 112 : index
      %get3A_371 = tpu.vector_load %arg12[%get3A_369, %get3A_370] {strides = array<i32>} : memref<2x128xf32, #tpu.memory_space<vmem>>, vector<16xf32>,
      %scatter3A_372 = arith.constant 1 : i32
      %scatter3A_373 = arith.constant 0 : i32
      %scatter3A_374 = arith.constant 0 : i32
      %scatter3A_375 = tpu.memref_slice %arg10[%scatter3A_372, %scatter3A_373, %scatter3A_374] : memref<2x128x136xf32, #tpu.memory_space<vmem>> -> memref<1x128x136xf32, #tpu.memory_space<vmem>>
      %scatter3A_376 = tpu.memref_squeeze %scatter3A_375 : memref<1x128x136xf32, #tpu.memory_space<vmem>> -> memref<128x136xf32, #tpu.memory_space<vmem>>
      tpu.vector_store_idx %scatter3A_376[%add3A_367, %broadcast_in_dim3A_280], %get3A_371 : memref<128x136xf32, #tpu.memory_space<vmem>>[vector<16xi32>, vector<16xi32>], vector<16xf32>,
      %dma_wait3A_377 = arith.constant 1 : i32
      %dma_wait3A_378 = arith.constant 0 : i32
      %dma_wait3A_379 = tpu.memref_slice %arg11[%dma_wait3A_377, %dma_wait3A_378] : memref<2x128xi32, #tpu.memory_space<vmem>> -> memref<1x128xi32, #tpu.memory_space<vmem>>
      %dma_wait3A_380 = arith.constant 0 : i32
      %dma_wait3A_381 = arith.constant 0 : i32
      %dma_wait3A_382 = tpu.memref_slice %arg5[%dma_wait3A_380, %dma_wait3A_381] : memref<1250x128xi32, #tpu.memory_space<hbm>> -> memref<1x128xi32, #tpu.memory_space<hbm>>
      %dma_wait3A_383 = arith.constant 1 : i32
      %dma_wait3A_384 = arith.constant 0 : i32
      %dma_wait3A_385 = tpu.memref_slice %arg11[%dma_wait3A_383, %dma_wait3A_384] : memref<2x128xi32, #tpu.memory_space<vmem>> -> memref<1x128xi32, #tpu.memory_space<vmem>>
      %dma_wait3A_386 = arith.constant 0 : i32
      %dma_wait3A_387 = arith.constant 0 : i32
      %dma_wait3A_388 = tpu.memref_slice %arg5[%dma_wait3A_386, %dma_wait3A_387] : memref<1250x128xi32, #tpu.memory_space<hbm>> -> memref<1x128xi32, #tpu.memory_space<hbm>>
      tpu.wait_dma2 semaphore(%arg14 : memref<!tpu.dma_semaphore, #tpu.memory_space<semaphore_mem>>) src(%dma_wait3A_388 : memref<1x128xi32, #tpu.memory_space<hbm>>) dst(%dma_wait3A_385 : memref<1x128xi32, #tpu.memory_space<vmem>>)
      %dma_start3A_389 = arith.constant 1 : i32
      %dma_start3A_390 = arith.constant 1 : i32
      %dma_start3A_391 = arith.constant 0 : i32
      %dma_start3A_392 = arith.constant 0 : i32
      %dma_start3A_393 = tpu.memref_slice %arg10[%dma_start3A_389, %dma_start3A_391, %dma_start3A_392] : memref<2x128x136xf32, #tpu.memory_space<vmem>> -> memref<1x128x136xf32, #tpu.memory_space<vmem>>
      %dma_start3A_394 = tpu.memref_squeeze %dma_start3A_393 : memref<1x128x136xf32, #tpu.memory_space<vmem>> -> memref<128x136xf32, #tpu.memory_space<vmem>>
      %dma_start3A_395 = arith.constant 0 : i32
      %dma_start3A_396 = tpu.memref_slice %arg11[%dma_start3A_390, %dma_start3A_395] : memref<2x128xi32, #tpu.memory_space<vmem>> -> memref<1x128xi32, #tpu.memory_space<vmem>>
      %dma_start3A_397 = tpu.memref_squeeze %dma_start3A_396 : memref<1x128xi32, #tpu.memory_space<vmem>> -> memref<128xi32, #tpu.memory_space<vmem>>
      %dma_start3A_398 = arith.constant 0 : i32
      %dma_start3A_399 = arith.constant 0 : i32
      %dma_start3A_400 = tpu.memref_slice %arg9[%dma_start3A_398, %dma_start3A_399] : memref<10000x136xf32, #tpu.memory_space<vmem_shared>> -> memref<10000x136xf32, #tpu.memory_space<vmem_shared>>
      tpu.enqueue_indirect_dma source(%dma_start3A_394 : memref<128x136xf32, #tpu.memory_space<vmem>>) target(%dma_start3A_400 : memref<10000x136xf32, #tpu.memory_space<vmem_shared>>) offsets(%dma_start3A_397 : memref<128xi32, #tpu.memory_space<vmem>>) semaphore(%arg16 : memref<!tpu.dma_semaphore, #tpu.memory_space<semaphore_mem>>) {add = true}
      %dma_wait3A_401 = arith.constant 0 : i32
      %dma_wait3A_402 = arith.constant 0 : i32
      %dma_wait3A_403 = arith.constant 0 : i32
      %dma_wait3A_404 = arith.constant 0 : i32
      %dma_wait3A_405 = tpu.memref_slice %arg10[%dma_wait3A_401, %dma_wait3A_403, %dma_wait3A_404] : memref<2x128x136xf32, #tpu.memory_space<vmem>> -> memref<1x128x136xf32, #tpu.memory_space<vmem>>
      %dma_wait3A_406 = tpu.memref_squeeze %dma_wait3A_405 : memref<1x128x136xf32, #tpu.memory_space<vmem>> -> memref<128x136xf32, #tpu.memory_space<vmem>>
      %dma_wait3A_407 = arith.constant 0 : i32
      %dma_wait3A_408 = tpu.memref_slice %arg11[%dma_wait3A_402, %dma_wait3A_407] : memref<2x128xi32, #tpu.memory_space<vmem>> -> memref<1x128xi32, #tpu.memory_space<vmem>>
      %dma_wait3A_409 = tpu.memref_squeeze %dma_wait3A_408 : memref<1x128xi32, #tpu.memory_space<vmem>> -> memref<128xi32, #tpu.memory_space<vmem>>
      %dma_wait3A_410 = arith.constant 0 : i32
      %dma_wait3A_411 = arith.constant 0 : i32
      %dma_wait3A_412 = tpu.memref_slice %arg9[%dma_wait3A_410, %dma_wait3A_411] : memref<10000x136xf32, #tpu.memory_space<vmem_shared>> -> memref<10000x136xf32, #tpu.memory_space<vmem_shared>>
      tpu.wait_indirect_dma semaphore(%arg15 : memref<!tpu.dma_semaphore, #tpu.memory_space<semaphore_mem>>) src(%dma_wait3A_406 : memref<128x136xf32, #tpu.memory_space<vmem>>) dst(%dma_wait3A_412 : memref<10000x136xf32, #tpu.memory_space<vmem_shared>>)
      %sub3A_413 = arith.constant 1 : i32
      %sub3A_414 = arith.subi %mul3A_8, %sub3A_413 : i32
      %lt3A_415 = arith.cmpi slt, %add3A_107, %sub3A_414 : i32
      %convert_element_type3A = arith.extui %lt3A_415 : i1 to i32
      %cond3A = arith.constant 0 : i32
      %cond3A_416 = arith.cmpi ne, %convert_element_type3A, %cond3A : i32
      scf.if %cond3A_416 {
        %add3A_435 = arith.constant 1 : i32
        %add3A_436 = arith.addi %add3A_107, %add3A_435 : i32
        %add3A_437 = arith.addi %mul3A_2, %add3A_436 : i32
        %mul3A_438 = arith.constant 128 : i32
        %mul3A_439 = arith.muli %add3A_437, %mul3A_438 : i32
        %dma_start3A_440 = arith.constant 0 : i32
        %dma_start3A_441 = arith.constant 0 : i32
        %dma_start3A_442 = arith.constant 0 : i32
        %dma_start3A_443 = tpu.memref_slice %arg10[%dma_start3A_440, %dma_start3A_441, %dma_start3A_442] : memref<2x128x136xf32, #tpu.memory_space<vmem>> -> memref<1x128x128xf32, #tpu.memory_space<vmem>>
        %dma_start3A_444 = tpu.memref_squeeze %dma_start3A_443 : memref<1x128x128xf32, #tpu.memory_space<vmem>> -> memref<128x128xf32, #tpu.memory_space<vmem>>
        %dma_start3A_445 = arith.constant 0 : i32
        %dma_start3A_446 = tpu.memref_slice %arg2[%mul3A_439, %dma_start3A_445] : memref<160000x128xf32, #tpu.memory_space<hbm>> -> memref<128x128xf32, #tpu.memory_space<hbm>>
        %dma_start3A_447 = arith.constant 0 : i32
        %dma_start3A_448 = arith.constant 0 : i32
        %dma_start3A_449 = tpu.memref_slice %arg10[%dma_start3A_440, %dma_start3A_447, %dma_start3A_448] : memref<2x128x136xf32, #tpu.memory_space<vmem>> -> memref<1x128x128xf32, #tpu.memory_space<vmem>>
        %dma_start3A_450 = tpu.memref_squeeze %dma_start3A_449 : memref<1x128x128xf32, #tpu.memory_space<vmem>> -> memref<128x128xf32, #tpu.memory_space<vmem>>
        %dma_start3A_451 = arith.constant 0 : i32
        %dma_start3A_452 = tpu.memref_slice %arg2[%mul3A_439, %dma_start3A_451] : memref<160000x128xf32, #tpu.memory_space<hbm>> -> memref<128x128xf32, #tpu.memory_space<hbm>>
        tpu.enqueue_dma source(%dma_start3A_452 : memref<128x128xf32, #tpu.memory_space<hbm>>) target(%dma_start3A_450 : memref<128x128xf32, #tpu.memory_space<vmem>>) target_semaphore(%arg13 : memref<!tpu.dma_semaphore, #tpu.memory_space<semaphore_mem>>)
        %dma_start3A_453 = arith.constant 0 : i32
        %dma_start3A_454 = arith.constant 0 : i32
        %dma_start3A_455 = tpu.memref_slice %arg12[%dma_start3A_453, %dma_start3A_454] : memref<2x128xf32, #tpu.memory_space<vmem>> -> memref<1x128xf32, #tpu.memory_space<vmem>>
        %dma_start3A_456 = tpu.memref_squeeze %dma_start3A_455 : memref<1x128xf32, #tpu.memory_space<vmem>> -> memref<128xf32, #tpu.memory_space<vmem>>
        %dma_start3A_457 = tpu.memref_slice %arg6[%mul3A_439] : memref<160000xf32, #tpu.memory_space<hbm>> -> memref<128xf32, #tpu.memory_space<hbm>>
        %dma_start3A_458 = arith.constant 0 : i32
        %dma_start3A_459 = tpu.memref_slice %arg12[%dma_start3A_453, %dma_start3A_458] : memref<2x128xf32, #tpu.memory_space<vmem>> -> memref<1x128xf32, #tpu.memory_space<vmem>>
        %dma_start3A_460 = tpu.memref_squeeze %dma_start3A_459 : memref<1x128xf32, #tpu.memory_space<vmem>> -> memref<128xf32, #tpu.memory_space<vmem>>
        %dma_start3A_461 = tpu.memref_slice %arg6[%mul3A_439] : memref<160000xf32, #tpu.memory_space<hbm>> -> memref<128xf32, #tpu.memory_space<hbm>>
        tpu.enqueue_dma source(%dma_start3A_461 : memref<128xf32, #tpu.memory_space<hbm>>) target(%dma_start3A_460 : memref<128xf32, #tpu.memory_space<vmem>>) target_semaphore(%arg13 : memref<!tpu.dma_semaphore, #tpu.memory_space<semaphore_mem>>)
        %add3A_462 = arith.addi %mul3A_2, %add3A_436 : i32
        %dma_start3A_463 = arith.constant 0 : i32
        %dma_start3A_464 = arith.constant 0 : i32
        %dma_start3A_465 = tpu.memref_slice %arg11[%dma_start3A_463, %dma_start3A_464] : memref<2x128xi32, #tpu.memory_space<vmem>> -> memref<1x128xi32, #tpu.memory_space<vmem>>
        %dma_start3A_466 = arith.constant 0 : i32
        %dma_start3A_467 = tpu.memref_slice %arg4[%add3A_462, %dma_start3A_466] : memref<1250x128xi32, #tpu.memory_space<hbm>> -> memref<1x128xi32, #tpu.memory_space<hbm>>
        %dma_start3A_468 = arith.constant 0 : i32
        %dma_start3A_469 = arith.constant 0 : i32
        %dma_start3A_470 = tpu.memref_slice %arg11[%dma_start3A_468, %dma_start3A_469] : memref<2x128xi32, #tpu.memory_space<vmem>> -> memref<1x128xi32, #tpu.memory_space<vmem>>
        %dma_start3A_471 = arith.constant 0 : i32
        %dma_start3A_472 = tpu.memref_slice %arg4[%add3A_462, %dma_start3A_471] : memref<1250x128xi32, #tpu.memory_space<hbm>> -> memref<1x128xi32, #tpu.memory_space<hbm>>
        tpu.enqueue_dma source(%dma_start3A_472 : memref<1x128xi32, #tpu.memory_space<hbm>>) target(%dma_start3A_470 : memref<1x128xi32, #tpu.memory_space<vmem>>) target_semaphore(%arg13 : memref<!tpu.dma_semaphore, #tpu.memory_space<semaphore_mem>>)
      } else {
      }
      %dma_wait3A_417 = arith.constant 1 : i32
      %dma_wait3A_418 = arith.constant 1 : i32
      %dma_wait3A_419 = arith.constant 0 : i32
      %dma_wait3A_420 = arith.constant 0 : i32
      %dma_wait3A_421 = tpu.memref_slice %arg10[%dma_wait3A_417, %dma_wait3A_419, %dma_wait3A_420] : memref<2x128x136xf32, #tpu.memory_space<vmem>> -> memref<1x128x136xf32, #tpu.memory_space<vmem>>
      %dma_wait3A_422 = tpu.memref_squeeze %dma_wait3A_421 : memref<1x128x136xf32, #tpu.memory_space<vmem>> -> memref<128x136xf32, #tpu.memory_space<vmem>>
      %dma_wait3A_423 = arith.constant 0 : i32
      %dma_wait3A_424 = tpu.memref_slice %arg11[%dma_wait3A_418, %dma_wait3A_423] : memref<2x128xi32, #tpu.memory_space<vmem>> -> memref<1x128xi32, #tpu.memory_space<vmem>>
      %dma_wait3A_425 = tpu.memref_squeeze %dma_wait3A_424 : memref<1x128xi32, #tpu.memory_space<vmem>> -> memref<128xi32, #tpu.memory_space<vmem>>
      %dma_wait3A_426 = arith.constant 0 : i32
      %dma_wait3A_427 = arith.constant 0 : i32
      %dma_wait3A_428 = tpu.memref_slice %arg9[%dma_wait3A_426, %dma_wait3A_427] : memref<10000x136xf32, #tpu.memory_space<vmem_shared>> -> memref<10000x136xf32, #tpu.memory_space<vmem_shared>>
      tpu.wait_indirect_dma semaphore(%arg16 : memref<!tpu.dma_semaphore, #tpu.memory_space<semaphore_mem>>) src(%dma_wait3A_422 : memref<128x136xf32, #tpu.memory_space<vmem>>) dst(%dma_wait3A_428 : memref<10000x136xf32, #tpu.memory_space<vmem_shared>>)
      %sub3A_429 = arith.constant 1 : i32
      %sub3A_430 = arith.subi %mul3A_8, %sub3A_429 : i32
      %lt3A_431 = arith.cmpi slt, %add3A_107, %sub3A_430 : i32
      %convert_element_type3A_432 = arith.extui %lt3A_431 : i1 to i32
      %cond3A_433 = arith.constant 0 : i32
      %cond3A_434 = arith.cmpi ne, %convert_element_type3A_432, %cond3A_433 : i32
      scf.if %cond3A_434 {
        %add3A_435 = arith.constant 1 : i32
        %add3A_436 = arith.addi %add3A_107, %add3A_435 : i32
        %add3A_437 = arith.addi %mul3A_2, %add3A_436 : i32
        %mul3A_438 = arith.constant 128 : i32
        %mul3A_439 = arith.muli %add3A_437, %mul3A_438 : i32
        %dma_start3A_440 = arith.constant 1 : i32
        %dma_start3A_441 = arith.constant 0 : i32
        %dma_start3A_442 = arith.constant 0 : i32
        %dma_start3A_443 = tpu.memref_slice %arg10[%dma_start3A_440, %dma_start3A_441, %dma_start3A_442] : memref<2x128x136xf32, #tpu.memory_space<vmem>> -> memref<1x128x128xf32, #tpu.memory_space<vmem>>
        %dma_start3A_444 = tpu.memref_squeeze %dma_start3A_443 : memref<1x128x128xf32, #tpu.memory_space<vmem>> -> memref<128x128xf32, #tpu.memory_space<vmem>>
        %dma_start3A_445 = arith.constant 0 : i32
        %dma_start3A_446 = tpu.memref_slice %arg3[%mul3A_439, %dma_start3A_445] : memref<160000x128xf32, #tpu.memory_space<hbm>> -> memref<128x128xf32, #tpu.memory_space<hbm>>
        %dma_start3A_447 = arith.constant 0 : i32
        %dma_start3A_448 = arith.constant 0 : i32
        %dma_start3A_449 = tpu.memref_slice %arg10[%dma_start3A_440, %dma_start3A_447, %dma_start3A_448] : memref<2x128x136xf32, #tpu.memory_space<vmem>> -> memref<1x128x128xf32, #tpu.memory_space<vmem>>
        %dma_start3A_450 = tpu.memref_squeeze %dma_start3A_449 : memref<1x128x128xf32, #tpu.memory_space<vmem>> -> memref<128x128xf32, #tpu.memory_space<vmem>>
        %dma_start3A_451 = arith.constant 0 : i32
        %dma_start3A_452 = tpu.memref_slice %arg3[%mul3A_439, %dma_start3A_451] : memref<160000x128xf32, #tpu.memory_space<hbm>> -> memref<128x128xf32, #tpu.memory_space<hbm>>
        tpu.enqueue_dma source(%dma_start3A_452 : memref<128x128xf32, #tpu.memory_space<hbm>>) target(%dma_start3A_450 : memref<128x128xf32, #tpu.memory_space<vmem>>) target_semaphore(%arg14 : memref<!tpu.dma_semaphore, #tpu.memory_space<semaphore_mem>>)
        %dma_start3A_453 = arith.constant 1 : i32
        %dma_start3A_454 = arith.constant 0 : i32
        %dma_start3A_455 = tpu.memref_slice %arg12[%dma_start3A_453, %dma_start3A_454] : memref<2x128xf32, #tpu.memory_space<vmem>> -> memref<1x128xf32, #tpu.memory_space<vmem>>
        %dma_start3A_456 = tpu.memref_squeeze %dma_start3A_455 : memref<1x128xf32, #tpu.memory_space<vmem>> -> memref<128xf32, #tpu.memory_space<vmem>>
        %dma_start3A_457 = tpu.memref_slice %arg6[%mul3A_439] : memref<160000xf32, #tpu.memory_space<hbm>> -> memref<128xf32, #tpu.memory_space<hbm>>
        %dma_start3A_458 = arith.constant 0 : i32
        %dma_start3A_459 = tpu.memref_slice %arg12[%dma_start3A_453, %dma_start3A_458] : memref<2x128xf32, #tpu.memory_space<vmem>> -> memref<1x128xf32, #tpu.memory_space<vmem>>
        %dma_start3A_460 = tpu.memref_squeeze %dma_start3A_459 : memref<1x128xf32, #tpu.memory_space<vmem>> -> memref<128xf32, #tpu.memory_space<vmem>>
        %dma_start3A_461 = tpu.memref_slice %arg6[%mul3A_439] : memref<160000xf32, #tpu.memory_space<hbm>> -> memref<128xf32, #tpu.memory_space<hbm>>
        tpu.enqueue_dma source(%dma_start3A_461 : memref<128xf32, #tpu.memory_space<hbm>>) target(%dma_start3A_460 : memref<128xf32, #tpu.memory_space<vmem>>) target_semaphore(%arg14 : memref<!tpu.dma_semaphore, #tpu.memory_space<semaphore_mem>>)
        %add3A_462 = arith.addi %mul3A_2, %add3A_436 : i32
        %dma_start3A_463 = arith.constant 1 : i32
        %dma_start3A_464 = arith.constant 0 : i32
        %dma_start3A_465 = tpu.memref_slice %arg11[%dma_start3A_463, %dma_start3A_464] : memref<2x128xi32, #tpu.memory_space<vmem>> -> memref<1x128xi32, #tpu.memory_space<vmem>>
        %dma_start3A_466 = arith.constant 0 : i32
        %dma_start3A_467 = tpu.memref_slice %arg5[%add3A_462, %dma_start3A_466] : memref<1250x128xi32, #tpu.memory_space<hbm>> -> memref<1x128xi32, #tpu.memory_space<hbm>>
        %dma_start3A_468 = arith.constant 1 : i32
        %dma_start3A_469 = arith.constant 0 : i32
        %dma_start3A_470 = tpu.memref_slice %arg11[%dma_start3A_468, %dma_start3A_469] : memref<2x128xi32, #tpu.memory_space<vmem>> -> memref<1x128xi32, #tpu.memory_space<vmem>>
        %dma_start3A_471 = arith.constant 0 : i32
        %dma_start3A_472 = tpu.memref_slice %arg5[%add3A_462, %dma_start3A_471] : memref<1250x128xi32, #tpu.memory_space<hbm>> -> memref<1x128xi32, #tpu.memory_space<hbm>>
        tpu.enqueue_dma source(%dma_start3A_472 : memref<1x128xi32, #tpu.memory_space<hbm>>) target(%dma_start3A_470 : memref<1x128xi32, #tpu.memory_space<vmem>>) target_semaphore(%arg14 : memref<!tpu.dma_semaphore, #tpu.memory_space<semaphore_mem>>)
      } else {
      }
    }
    %while3A_99 = arith.constant 1 : i32
    scf.for %while3A_105 = %while3A_97 to %while3A_93 step %while3A_99  : i32 {
      %mul3A_106 = arith.muli %while3A_105, %while3A : i32
      %add3A_107 = arith.addi %while3A_90, %mul3A_106 : i32
      %dma_wait3A = arith.constant 0 : i32
      %dma_wait3A_108 = arith.constant 0 : i32
      %dma_wait3A_109 = arith.constant 0 : i32
      %dma_wait3A_110 = tpu.memref_slice %arg10[%dma_wait3A, %dma_wait3A_108, %dma_wait3A_109] : memref<2x128x136xf32, #tpu.memory_space<vmem>> -> memref<1x128x128xf32, #tpu.memory_space<vmem>>
      %dma_wait3A_111 = tpu.memref_squeeze %dma_wait3A_110 : memref<1x128x128xf32, #tpu.memory_space<vmem>> -> memref<128x128xf32, #tpu.memory_space<vmem>>
      %dma_wait3A_112 = arith.constant 0 : i32
      %dma_wait3A_113 = arith.constant 0 : i32
      %dma_wait3A_114 = tpu.memref_slice %arg2[%dma_wait3A_112, %dma_wait3A_113] : memref<160000x128xf32, #tpu.memory_space<hbm>> -> memref<128x128xf32, #tpu.memory_space<hbm>>
      %dma_wait3A_115 = arith.constant 0 : i32
      %dma_wait3A_116 = arith.constant 0 : i32
      %dma_wait3A_117 = tpu.memref_slice %arg10[%dma_wait3A, %dma_wait3A_115, %dma_wait3A_116] : memref<2x128x136xf32, #tpu.memory_space<vmem>> -> memref<1x128x128xf32, #tpu.memory_space<vmem>>
      %dma_wait3A_118 = tpu.memref_squeeze %dma_wait3A_117 : memref<1x128x128xf32, #tpu.memory_space<vmem>> -> memref<128x128xf32, #tpu.memory_space<vmem>>
      %dma_wait3A_119 = arith.constant 0 : i32
      %dma_wait3A_120 = arith.constant 0 : i32
      %dma_wait3A_121 = tpu.memref_slice %arg2[%dma_wait3A_119, %dma_wait3A_120] : memref<160000x128xf32, #tpu.memory_space<hbm>> -> memref<128x128xf32, #tpu.memory_space<hbm>>
      tpu.wait_dma2 semaphore(%arg13 : memref<!tpu.dma_semaphore, #tpu.memory_space<semaphore_mem>>) src(%dma_wait3A_121 : memref<128x128xf32, #tpu.memory_space<hbm>>) dst(%dma_wait3A_118 : memref<128x128xf32, #tpu.memory_space<vmem>>)
      %dma_wait3A_122 = arith.constant 0 : i32
      %dma_wait3A_123 = arith.constant 0 : i32
      %dma_wait3A_124 = tpu.memref_slice %arg12[%dma_wait3A_122, %dma_wait3A_123] : memref<2x128xf32, #tpu.memory_space<vmem>> -> memref<1x128xf32, #tpu.memory_space<vmem>>
      %dma_wait3A_125 = tpu.memref_squeeze %dma_wait3A_124 : memref<1x128xf32, #tpu.memory_space<vmem>> -> memref<128xf32, #tpu.memory_space<vmem>>
      %dma_wait3A_126 = arith.constant 0 : i32
      %dma_wait3A_127 = tpu.memref_slice %arg6[%dma_wait3A_126] : memref<160000xf32, #tpu.memory_space<hbm>> -> memref<128xf32, #tpu.memory_space<hbm>>
      %dma_wait3A_128 = arith.constant 0 : i32
      %dma_wait3A_129 = tpu.memref_slice %arg12[%dma_wait3A_122, %dma_wait3A_128] : memref<2x128xf32, #tpu.memory_space<vmem>> -> memref<1x128xf32, #tpu.memory_space<vmem>>
      %dma_wait3A_130 = tpu.memref_squeeze %dma_wait3A_129 : memref<1x128xf32, #tpu.memory_space<vmem>> -> memref<128xf32, #tpu.memory_space<vmem>>
      %dma_wait3A_131 = arith.constant 0 : i32
      %dma_wait3A_132 = tpu.memref_slice %arg6[%dma_wait3A_131] : memref<160000xf32, #tpu.memory_space<hbm>> -> memref<128xf32, #tpu.memory_space<hbm>>
      tpu.wait_dma2 semaphore(%arg13 : memref<!tpu.dma_semaphore, #tpu.memory_space<semaphore_mem>>) src(%dma_wait3A_132 : memref<128xf32, #tpu.memory_space<hbm>>) dst(%dma_wait3A_130 : memref<128xf32, #tpu.memory_space<vmem>>)
      %iota3A = tpu.iota {dimensions = array<i32: 0>} : vector<16xi32>
      %broadcast_in_dim3A = arith.constant 128 : i32
      %broadcast_in_dim3A_133 = vector.broadcast %broadcast_in_dim3A : i32 to vector<16xi32>
      %add3A_134 = arith.constant 0 : i32
      %add3A_135 = vector.broadcast %add3A_134 : i32 to vector<16xi32>
      %add3A_136 = arith.addi %iota3A, %add3A_135 : vector<16xi32>
      %get3A = arith.constant 0 : i32
      %get3A_137 = arith.index_cast %get3A : i32 to index
      %get3A_138 = arith.constant 0 : index
      %get3A_139 = tpu.vector_load %arg12[%get3A_137, %get3A_138] {strides = array<i32>} : memref<2x128xf32, #tpu.memory_space<vmem>>, vector<16xf32>,
      %scatter3A = arith.constant 0 : i32
      %scatter3A_140 = arith.constant 0 : i32
      %scatter3A_141 = arith.constant 0 : i32
      %scatter3A_142 = tpu.memref_slice %arg10[%scatter3A, %scatter3A_140, %scatter3A_141] : memref<2x128x136xf32, #tpu.memory_space<vmem>> -> memref<1x128x136xf32, #tpu.memory_space<vmem>>
      %scatter3A_143 = tpu.memref_squeeze %scatter3A_142 : memref<1x128x136xf32, #tpu.memory_space<vmem>> -> memref<128x136xf32, #tpu.memory_space<vmem>>
      tpu.vector_store_idx %scatter3A_143[%add3A_136, %broadcast_in_dim3A_133], %get3A_139 : memref<128x136xf32, #tpu.memory_space<vmem>>[vector<16xi32>, vector<16xi32>], vector<16xf32>,
      %add3A_144 = arith.constant 16 : i32
      %add3A_145 = vector.broadcast %add3A_144 : i32 to vector<16xi32>
      %add3A_146 = arith.addi %iota3A, %add3A_145 : vector<16xi32>
      %get3A_147 = arith.constant 0 : i32
      %get3A_148 = arith.index_cast %get3A_147 : i32 to index
      %get3A_149 = arith.constant 16 : index
      %get3A_150 = tpu.vector_load %arg12[%get3A_148, %get3A_149] {strides = array<i32>} : memref<2x128xf32, #tpu.memory_space<vmem>>, vector<16xf32>,
      %scatter3A_151 = arith.constant 0 : i32
      %scatter3A_152 = arith.constant 0 : i32
      %scatter3A_153 = arith.constant 0 : i32
      %scatter3A_154 = tpu.memref_slice %arg10[%scatter3A_151, %scatter3A_152, %scatter3A_153] : memref<2x128x136xf32, #tpu.memory_space<vmem>> -> memref<1x128x136xf32, #tpu.memory_space<vmem>>
      %scatter3A_155 = tpu.memref_squeeze %scatter3A_154 : memref<1x128x136xf32, #tpu.memory_space<vmem>> -> memref<128x136xf32, #tpu.memory_space<vmem>>
      tpu.vector_store_idx %scatter3A_155[%add3A_146, %broadcast_in_dim3A_133], %get3A_150 : memref<128x136xf32, #tpu.memory_space<vmem>>[vector<16xi32>, vector<16xi32>], vector<16xf32>,
      %add3A_156 = arith.constant 32 : i32
      %add3A_157 = vector.broadcast %add3A_156 : i32 to vector<16xi32>
      %add3A_158 = arith.addi %iota3A, %add3A_157 : vector<16xi32>
      %get3A_159 = arith.constant 0 : i32
      %get3A_160 = arith.index_cast %get3A_159 : i32 to index
      %get3A_161 = arith.constant 32 : index
      %get3A_162 = tpu.vector_load %arg12[%get3A_160, %get3A_161] {strides = array<i32>} : memref<2x128xf32, #tpu.memory_space<vmem>>, vector<16xf32>,
      %scatter3A_163 = arith.constant 0 : i32
      %scatter3A_164 = arith.constant 0 : i32
      %scatter3A_165 = arith.constant 0 : i32
      %scatter3A_166 = tpu.memref_slice %arg10[%scatter3A_163, %scatter3A_164, %scatter3A_165] : memref<2x128x136xf32, #tpu.memory_space<vmem>> -> memref<1x128x136xf32, #tpu.memory_space<vmem>>
      %scatter3A_167 = tpu.memref_squeeze %scatter3A_166 : memref<1x128x136xf32, #tpu.memory_space<vmem>> -> memref<128x136xf32, #tpu.memory_space<vmem>>
      tpu.vector_store_idx %scatter3A_167[%add3A_158, %broadcast_in_dim3A_133], %get3A_162 : memref<128x136xf32, #tpu.memory_space<vmem>>[vector<16xi32>, vector<16xi32>], vector<16xf32>,
      %add3A_168 = arith.constant 48 : i32
      %add3A_169 = vector.broadcast %add3A_168 : i32 to vector<16xi32>
      %add3A_170 = arith.addi %iota3A, %add3A_169 : vector<16xi32>
      %get3A_171 = arith.constant 0 : i32
      %get3A_172 = arith.index_cast %get3A_171 : i32 to index
      %get3A_173 = arith.constant 48 : index
      %get3A_174 = tpu.vector_load %arg12[%get3A_172, %get3A_173] {strides = array<i32>} : memref<2x128xf32, #tpu.memory_space<vmem>>, vector<16xf32>,
      %scatter3A_175 = arith.constant 0 : i32
      %scatter3A_176 = arith.constant 0 : i32
      %scatter3A_177 = arith.constant 0 : i32
      %scatter3A_178 = tpu.memref_slice %arg10[%scatter3A_175, %scatter3A_176, %scatter3A_177] : memref<2x128x136xf32, #tpu.memory_space<vmem>> -> memref<1x128x136xf32, #tpu.memory_space<vmem>>
      %scatter3A_179 = tpu.memref_squeeze %scatter3A_178 : memref<1x128x136xf32, #tpu.memory_space<vmem>> -> memref<128x136xf32, #tpu.memory_space<vmem>>
      tpu.vector_store_idx %scatter3A_179[%add3A_170, %broadcast_in_dim3A_133], %get3A_174 : memref<128x136xf32, #tpu.memory_space<vmem>>[vector<16xi32>, vector<16xi32>], vector<16xf32>,
      %add3A_180 = arith.constant 64 : i32
      %add3A_181 = vector.broadcast %add3A_180 : i32 to vector<16xi32>
      %add3A_182 = arith.addi %iota3A, %add3A_181 : vector<16xi32>
      %get3A_183 = arith.constant 0 : i32
      %get3A_184 = arith.index_cast %get3A_183 : i32 to index
      %get3A_185 = arith.constant 64 : index
      %get3A_186 = tpu.vector_load %arg12[%get3A_184, %get3A_185] {strides = array<i32>} : memref<2x128xf32, #tpu.memory_space<vmem>>, vector<16xf32>,
      %scatter3A_187 = arith.constant 0 : i32
      %scatter3A_188 = arith.constant 0 : i32
      %scatter3A_189 = arith.constant 0 : i32
      %scatter3A_190 = tpu.memref_slice %arg10[%scatter3A_187, %scatter3A_188, %scatter3A_189] : memref<2x128x136xf32, #tpu.memory_space<vmem>> -> memref<1x128x136xf32, #tpu.memory_space<vmem>>
      %scatter3A_191 = tpu.memref_squeeze %scatter3A_190 : memref<1x128x136xf32, #tpu.memory_space<vmem>> -> memref<128x136xf32, #tpu.memory_space<vmem>>
      tpu.vector_store_idx %scatter3A_191[%add3A_182, %broadcast_in_dim3A_133], %get3A_186 : memref<128x136xf32, #tpu.memory_space<vmem>>[vector<16xi32>, vector<16xi32>], vector<16xf32>,
      %add3A_192 = arith.constant 80 : i32
      %add3A_193 = vector.broadcast %add3A_192 : i32 to vector<16xi32>
      %add3A_194 = arith.addi %iota3A, %add3A_193 : vector<16xi32>
      %get3A_195 = arith.constant 0 : i32
      %get3A_196 = arith.index_cast %get3A_195 : i32 to index
      %get3A_197 = arith.constant 80 : index
      %get3A_198 = tpu.vector_load %arg12[%get3A_196, %get3A_197] {strides = array<i32>} : memref<2x128xf32, #tpu.memory_space<vmem>>, vector<16xf32>,
      %scatter3A_199 = arith.constant 0 : i32
      %scatter3A_200 = arith.constant 0 : i32
      %scatter3A_201 = arith.constant 0 : i32
      %scatter3A_202 = tpu.memref_slice %arg10[%scatter3A_199, %scatter3A_200, %scatter3A_201] : memref<2x128x136xf32, #tpu.memory_space<vmem>> -> memref<1x128x136xf32, #tpu.memory_space<vmem>>
      %scatter3A_203 = tpu.memref_squeeze %scatter3A_202 : memref<1x128x136xf32, #tpu.memory_space<vmem>> -> memref<128x136xf32, #tpu.memory_space<vmem>>
      tpu.vector_store_idx %scatter3A_203[%add3A_194, %broadcast_in_dim3A_133], %get3A_198 : memref<128x136xf32, #tpu.memory_space<vmem>>[vector<16xi32>, vector<16xi32>], vector<16xf32>,
      %add3A_204 = arith.constant 96 : i32
      %add3A_205 = vector.broadcast %add3A_204 : i32 to vector<16xi32>
      %add3A_206 = arith.addi %iota3A, %add3A_205 : vector<16xi32>
      %get3A_207 = arith.constant 0 : i32
      %get3A_208 = arith.index_cast %get3A_207 : i32 to index
      %get3A_209 = arith.constant 96 : index
      %get3A_210 = tpu.vector_load %arg12[%get3A_208, %get3A_209] {strides = array<i32>} : memref<2x128xf32, #tpu.memory_space<vmem>>, vector<16xf32>,
      %scatter3A_211 = arith.constant 0 : i32
      %scatter3A_212 = arith.constant 0 : i32
      %scatter3A_213 = arith.constant 0 : i32
      %scatter3A_214 = tpu.memref_slice %arg10[%scatter3A_211, %scatter3A_212, %scatter3A_213] : memref<2x128x136xf32, #tpu.memory_space<vmem>> -> memref<1x128x136xf32, #tpu.memory_space<vmem>>
      %scatter3A_215 = tpu.memref_squeeze %scatter3A_214 : memref<1x128x136xf32, #tpu.memory_space<vmem>> -> memref<128x136xf32, #tpu.memory_space<vmem>>
      tpu.vector_store_idx %scatter3A_215[%add3A_206, %broadcast_in_dim3A_133], %get3A_210 : memref<128x136xf32, #tpu.memory_space<vmem>>[vector<16xi32>, vector<16xi32>], vector<16xf32>,
      %add3A_216 = arith.constant 112 : i32
      %add3A_217 = vector.broadcast %add3A_216 : i32 to vector<16xi32>
      %add3A_218 = arith.addi %iota3A, %add3A_217 : vector<16xi32>
      %get3A_219 = arith.constant 0 : i32
      %get3A_220 = arith.index_cast %get3A_219 : i32 to index
      %get3A_221 = arith.constant 112 : index
      %get3A_222 = tpu.vector_load %arg12[%get3A_220, %get3A_221] {strides = array<i32>} : memref<2x128xf32, #tpu.memory_space<vmem>>, vector<16xf32>,
      %scatter3A_223 = arith.constant 0 : i32
      %scatter3A_224 = arith.constant 0 : i32
      %scatter3A_225 = arith.constant 0 : i32
      %scatter3A_226 = tpu.memref_slice %arg10[%scatter3A_223, %scatter3A_224, %scatter3A_225] : memref<2x128x136xf32, #tpu.memory_space<vmem>> -> memref<1x128x136xf32, #tpu.memory_space<vmem>>
      %scatter3A_227 = tpu.memref_squeeze %scatter3A_226 : memref<1x128x136xf32, #tpu.memory_space<vmem>> -> memref<128x136xf32, #tpu.memory_space<vmem>>
      tpu.vector_store_idx %scatter3A_227[%add3A_218, %broadcast_in_dim3A_133], %get3A_222 : memref<128x136xf32, #tpu.memory_space<vmem>>[vector<16xi32>, vector<16xi32>], vector<16xf32>,
      %dma_wait3A_228 = arith.constant 0 : i32
      %dma_wait3A_229 = arith.constant 0 : i32
      %dma_wait3A_230 = tpu.memref_slice %arg11[%dma_wait3A_228, %dma_wait3A_229] : memref<2x128xi32, #tpu.memory_space<vmem>> -> memref<1x128xi32, #tpu.memory_space<vmem>>
      %dma_wait3A_231 = arith.constant 0 : i32
      %dma_wait3A_232 = arith.constant 0 : i32
      %dma_wait3A_233 = tpu.memref_slice %arg4[%dma_wait3A_231, %dma_wait3A_232] : memref<1250x128xi32, #tpu.memory_space<hbm>> -> memref<1x128xi32, #tpu.memory_space<hbm>>
      %dma_wait3A_234 = arith.constant 0 : i32
      %dma_wait3A_235 = arith.constant 0 : i32
      %dma_wait3A_236 = tpu.memref_slice %arg11[%dma_wait3A_234, %dma_wait3A_235] : memref<2x128xi32, #tpu.memory_space<vmem>> -> memref<1x128xi32, #tpu.memory_space<vmem>>
      %dma_wait3A_237 = arith.constant 0 : i32
      %dma_wait3A_238 = arith.constant 0 : i32
      %dma_wait3A_239 = tpu.memref_slice %arg4[%dma_wait3A_237, %dma_wait3A_238] : memref<1250x128xi32, #tpu.memory_space<hbm>> -> memref<1x128xi32, #tpu.memory_space<hbm>>
      tpu.wait_dma2 semaphore(%arg13 : memref<!tpu.dma_semaphore, #tpu.memory_space<semaphore_mem>>) src(%dma_wait3A_239 : memref<1x128xi32, #tpu.memory_space<hbm>>) dst(%dma_wait3A_236 : memref<1x128xi32, #tpu.memory_space<vmem>>)
      %dma_start3A_240 = arith.constant 0 : i32
      %dma_start3A_241 = arith.constant 0 : i32
      %dma_start3A_242 = arith.constant 0 : i32
      %dma_start3A_243 = arith.constant 0 : i32
      %dma_start3A_244 = tpu.memref_slice %arg10[%dma_start3A_240, %dma_start3A_242, %dma_start3A_243] : memref<2x128x136xf32, #tpu.memory_space<vmem>> -> memref<1x128x136xf32, #tpu.memory_space<vmem>>
      %dma_start3A_245 = tpu.memref_squeeze %dma_start3A_244 : memref<1x128x136xf32, #tpu.memory_space<vmem>> -> memref<128x136xf32, #tpu.memory_space<vmem>>
      %dma_start3A_246 = arith.constant 0 : i32
      %dma_start3A_247 = tpu.memref_slice %arg11[%dma_start3A_241, %dma_start3A_246] : memref<2x128xi32, #tpu.memory_space<vmem>> -> memref<1x128xi32, #tpu.memory_space<vmem>>
      %dma_start3A_248 = tpu.memref_squeeze %dma_start3A_247 : memref<1x128xi32, #tpu.memory_space<vmem>> -> memref<128xi32, #tpu.memory_space<vmem>>
      %dma_start3A_249 = arith.constant 0 : i32
      %dma_start3A_250 = arith.constant 0 : i32
      %dma_start3A_251 = tpu.memref_slice %arg9[%dma_start3A_249, %dma_start3A_250] : memref<10000x136xf32, #tpu.memory_space<vmem_shared>> -> memref<10000x136xf32, #tpu.memory_space<vmem_shared>>
      tpu.enqueue_indirect_dma source(%dma_start3A_245 : memref<128x136xf32, #tpu.memory_space<vmem>>) target(%dma_start3A_251 : memref<10000x136xf32, #tpu.memory_space<vmem_shared>>) offsets(%dma_start3A_248 : memref<128xi32, #tpu.memory_space<vmem>>) semaphore(%arg15 : memref<!tpu.dma_semaphore, #tpu.memory_space<semaphore_mem>>) {add = true}
      %dma_wait3A_252 = arith.constant 1 : i32
      %dma_wait3A_253 = arith.constant 0 : i32
      %dma_wait3A_254 = arith.constant 0 : i32
      %dma_wait3A_255 = tpu.memref_slice %arg10[%dma_wait3A_252, %dma_wait3A_253, %dma_wait3A_254] : memref<2x128x136xf32, #tpu.memory_space<vmem>> -> memref<1x128x128xf32, #tpu.memory_space<vmem>>
      %dma_wait3A_256 = tpu.memref_squeeze %dma_wait3A_255 : memref<1x128x128xf32, #tpu.memory_space<vmem>> -> memref<128x128xf32, #tpu.memory_space<vmem>>
      %dma_wait3A_257 = arith.constant 0 : i32
      %dma_wait3A_258 = arith.constant 0 : i32
      %dma_wait3A_259 = tpu.memref_slice %arg3[%dma_wait3A_257, %dma_wait3A_258] : memref<160000x128xf32, #tpu.memory_space<hbm>> -> memref<128x128xf32, #tpu.memory_space<hbm>>
      %dma_wait3A_260 = arith.constant 0 : i32
      %dma_wait3A_261 = arith.constant 0 : i32
      %dma_wait3A_262 = tpu.memref_slice %arg10[%dma_wait3A_252, %dma_wait3A_260, %dma_wait3A_261] : memref<2x128x136xf32, #tpu.memory_space<vmem>> -> memref<1x128x128xf32, #tpu.memory_space<vmem>>
      %dma_wait3A_263 = tpu.memref_squeeze %dma_wait3A_262 : memref<1x128x128xf32, #tpu.memory_space<vmem>> -> memref<128x128xf32, #tpu.memory_space<vmem>>
      %dma_wait3A_264 = arith.constant 0 : i32
      %dma_wait3A_265 = arith.constant 0 : i32
      %dma_wait3A_266 = tpu.memref_slice %arg3[%dma_wait3A_264, %dma_wait3A_265] : memref<160000x128xf32, #tpu.memory_space<hbm>> -> memref<128x128xf32, #tpu.memory_space<hbm>>
      tpu.wait_dma2 semaphore(%arg14 : memref<!tpu.dma_semaphore, #tpu.memory_space<semaphore_mem>>) src(%dma_wait3A_266 : memref<128x128xf32, #tpu.memory_space<hbm>>) dst(%dma_wait3A_263 : memref<128x128xf32, #tpu.memory_space<vmem>>)
      %dma_wait3A_267 = arith.constant 1 : i32
      %dma_wait3A_268 = arith.constant 0 : i32
      %dma_wait3A_269 = tpu.memref_slice %arg12[%dma_wait3A_267, %dma_wait3A_268] : memref<2x128xf32, #tpu.memory_space<vmem>> -> memref<1x128xf32, #tpu.memory_space<vmem>>
      %dma_wait3A_270 = tpu.memref_squeeze %dma_wait3A_269 : memref<1x128xf32, #tpu.memory_space<vmem>> -> memref<128xf32, #tpu.memory_space<vmem>>
      %dma_wait3A_271 = arith.constant 0 : i32
      %dma_wait3A_272 = tpu.memref_slice %arg6[%dma_wait3A_271] : memref<160000xf32, #tpu.memory_space<hbm>> -> memref<128xf32, #tpu.memory_space<hbm>>
      %dma_wait3A_273 = arith.constant 0 : i32
      %dma_wait3A_274 = tpu.memref_slice %arg12[%dma_wait3A_267, %dma_wait3A_273] : memref<2x128xf32, #tpu.memory_space<vmem>> -> memref<1x128xf32, #tpu.memory_space<vmem>>
      %dma_wait3A_275 = tpu.memref_squeeze %dma_wait3A_274 : memref<1x128xf32, #tpu.memory_space<vmem>> -> memref<128xf32, #tpu.memory_space<vmem>>
      %dma_wait3A_276 = arith.constant 0 : i32
      %dma_wait3A_277 = tpu.memref_slice %arg6[%dma_wait3A_276] : memref<160000xf32, #tpu.memory_space<hbm>> -> memref<128xf32, #tpu.memory_space<hbm>>
      tpu.wait_dma2 semaphore(%arg14 : memref<!tpu.dma_semaphore, #tpu.memory_space<semaphore_mem>>) src(%dma_wait3A_277 : memref<128xf32, #tpu.memory_space<hbm>>) dst(%dma_wait3A_275 : memref<128xf32, #tpu.memory_space<vmem>>)
      %iota3A_278 = tpu.iota {dimensions = array<i32: 0>} : vector<16xi32>
      %broadcast_in_dim3A_279 = arith.constant 128 : i32
      %broadcast_in_dim3A_280 = vector.broadcast %broadcast_in_dim3A_279 : i32 to vector<16xi32>
      %add3A_281 = arith.constant 0 : i32
      %add3A_282 = vector.broadcast %add3A_281 : i32 to vector<16xi32>
      %add3A_283 = arith.addi %iota3A_278, %add3A_282 : vector<16xi32>
      %get3A_284 = arith.constant 1 : i32
      %get3A_285 = arith.index_cast %get3A_284 : i32 to index
      %get3A_286 = arith.constant 0 : index
      %get3A_287 = tpu.vector_load %arg12[%get3A_285, %get3A_286] {strides = array<i32>} : memref<2x128xf32, #tpu.memory_space<vmem>>, vector<16xf32>,
      %scatter3A_288 = arith.constant 1 : i32
      %scatter3A_289 = arith.constant 0 : i32
      %scatter3A_290 = arith.constant 0 : i32
      %scatter3A_291 = tpu.memref_slice %arg10[%scatter3A_288, %scatter3A_289, %scatter3A_290] : memref<2x128x136xf32, #tpu.memory_space<vmem>> -> memref<1x128x136xf32, #tpu.memory_space<vmem>>
      %scatter3A_292 = tpu.memref_squeeze %scatter3A_291 : memref<1x128x136xf32, #tpu.memory_space<vmem>> -> memref<128x136xf32, #tpu.memory_space<vmem>>
      tpu.vector_store_idx %scatter3A_292[%add3A_283, %broadcast_in_dim3A_280], %get3A_287 : memref<128x136xf32, #tpu.memory_space<vmem>>[vector<16xi32>, vector<16xi32>], vector<16xf32>,
      %add3A_293 = arith.constant 16 : i32
      %add3A_294 = vector.broadcast %add3A_293 : i32 to vector<16xi32>
      %add3A_295 = arith.addi %iota3A_278, %add3A_294 : vector<16xi32>
      %get3A_296 = arith.constant 1 : i32
      %get3A_297 = arith.index_cast %get3A_296 : i32 to index
      %get3A_298 = arith.constant 16 : index
      %get3A_299 = tpu.vector_load %arg12[%get3A_297, %get3A_298] {strides = array<i32>} : memref<2x128xf32, #tpu.memory_space<vmem>>, vector<16xf32>,
      %scatter3A_300 = arith.constant 1 : i32
      %scatter3A_301 = arith.constant 0 : i32
      %scatter3A_302 = arith.constant 0 : i32
      %scatter3A_303 = tpu.memref_slice %arg10[%scatter3A_300, %scatter3A_301, %scatter3A_302] : memref<2x128x136xf32, #tpu.memory_space<vmem>> -> memref<1x128x136xf32, #tpu.memory_space<vmem>>
      %scatter3A_304 = tpu.memref_squeeze %scatter3A_303 : memref<1x128x136xf32, #tpu.memory_space<vmem>> -> memref<128x136xf32, #tpu.memory_space<vmem>>
      tpu.vector_store_idx %scatter3A_304[%add3A_295, %broadcast_in_dim3A_280], %get3A_299 : memref<128x136xf32, #tpu.memory_space<vmem>>[vector<16xi32>, vector<16xi32>], vector<16xf32>,
      %add3A_305 = arith.constant 32 : i32
      %add3A_306 = vector.broadcast %add3A_305 : i32 to vector<16xi32>
      %add3A_307 = arith.addi %iota3A_278, %add3A_306 : vector<16xi32>
      %get3A_308 = arith.constant 1 : i32
      %get3A_309 = arith.index_cast %get3A_308 : i32 to index
      %get3A_310 = arith.constant 32 : index
      %get3A_311 = tpu.vector_load %arg12[%get3A_309, %get3A_310] {strides = array<i32>} : memref<2x128xf32, #tpu.memory_space<vmem>>, vector<16xf32>,
      %scatter3A_312 = arith.constant 1 : i32
      %scatter3A_313 = arith.constant 0 : i32
      %scatter3A_314 = arith.constant 0 : i32
      %scatter3A_315 = tpu.memref_slice %arg10[%scatter3A_312, %scatter3A_313, %scatter3A_314] : memref<2x128x136xf32, #tpu.memory_space<vmem>> -> memref<1x128x136xf32, #tpu.memory_space<vmem>>
      %scatter3A_316 = tpu.memref_squeeze %scatter3A_315 : memref<1x128x136xf32, #tpu.memory_space<vmem>> -> memref<128x136xf32, #tpu.memory_space<vmem>>
      tpu.vector_store_idx %scatter3A_316[%add3A_307, %broadcast_in_dim3A_280], %get3A_311 : memref<128x136xf32, #tpu.memory_space<vmem>>[vector<16xi32>, vector<16xi32>], vector<16xf32>,
      %add3A_317 = arith.constant 48 : i32
      %add3A_318 = vector.broadcast %add3A_317 : i32 to vector<16xi32>
      %add3A_319 = arith.addi %iota3A_278, %add3A_318 : vector<16xi32>
      %get3A_320 = arith.constant 1 : i32
      %get3A_321 = arith.index_cast %get3A_320 : i32 to index
      %get3A_322 = arith.constant 48 : index
      %get3A_323 = tpu.vector_load %arg12[%get3A_321, %get3A_322] {strides = array<i32>} : memref<2x128xf32, #tpu.memory_space<vmem>>, vector<16xf32>,
      %scatter3A_324 = arith.constant 1 : i32
      %scatter3A_325 = arith.constant 0 : i32
      %scatter3A_326 = arith.constant 0 : i32
      %scatter3A_327 = tpu.memref_slice %arg10[%scatter3A_324, %scatter3A_325, %scatter3A_326] : memref<2x128x136xf32, #tpu.memory_space<vmem>> -> memref<1x128x136xf32, #tpu.memory_space<vmem>>
      %scatter3A_328 = tpu.memref_squeeze %scatter3A_327 : memref<1x128x136xf32, #tpu.memory_space<vmem>> -> memref<128x136xf32, #tpu.memory_space<vmem>>
      tpu.vector_store_idx %scatter3A_328[%add3A_319, %broadcast_in_dim3A_280], %get3A_323 : memref<128x136xf32, #tpu.memory_space<vmem>>[vector<16xi32>, vector<16xi32>], vector<16xf32>,
      %add3A_329 = arith.constant 64 : i32
      %add3A_330 = vector.broadcast %add3A_329 : i32 to vector<16xi32>
      %add3A_331 = arith.addi %iota3A_278, %add3A_330 : vector<16xi32>
      %get3A_332 = arith.constant 1 : i32
      %get3A_333 = arith.index_cast %get3A_332 : i32 to index
      %get3A_334 = arith.constant 64 : index
      %get3A_335 = tpu.vector_load %arg12[%get3A_333, %get3A_334] {strides = array<i32>} : memref<2x128xf32, #tpu.memory_space<vmem>>, vector<16xf32>,
      %scatter3A_336 = arith.constant 1 : i32
      %scatter3A_337 = arith.constant 0 : i32
      %scatter3A_338 = arith.constant 0 : i32
      %scatter3A_339 = tpu.memref_slice %arg10[%scatter3A_336, %scatter3A_337, %scatter3A_338] : memref<2x128x136xf32, #tpu.memory_space<vmem>> -> memref<1x128x136xf32, #tpu.memory_space<vmem>>
      %scatter3A_340 = tpu.memref_squeeze %scatter3A_339 : memref<1x128x136xf32, #tpu.memory_space<vmem>> -> memref<128x136xf32, #tpu.memory_space<vmem>>
      tpu.vector_store_idx %scatter3A_340[%add3A_331, %broadcast_in_dim3A_280], %get3A_335 : memref<128x136xf32, #tpu.memory_space<vmem>>[vector<16xi32>, vector<16xi32>], vector<16xf32>,
      %add3A_341 = arith.constant 80 : i32
      %add3A_342 = vector.broadcast %add3A_341 : i32 to vector<16xi32>
      %add3A_343 = arith.addi %iota3A_278, %add3A_342 : vector<16xi32>
      %get3A_344 = arith.constant 1 : i32
      %get3A_345 = arith.index_cast %get3A_344 : i32 to index
      %get3A_346 = arith.constant 80 : index
      %get3A_347 = tpu.vector_load %arg12[%get3A_345, %get3A_346] {strides = array<i32>} : memref<2x128xf32, #tpu.memory_space<vmem>>, vector<16xf32>,
      %scatter3A_348 = arith.constant 1 : i32
      %scatter3A_349 = arith.constant 0 : i32
      %scatter3A_350 = arith.constant 0 : i32
      %scatter3A_351 = tpu.memref_slice %arg10[%scatter3A_348, %scatter3A_349, %scatter3A_350] : memref<2x128x136xf32, #tpu.memory_space<vmem>> -> memref<1x128x136xf32, #tpu.memory_space<vmem>>
      %scatter3A_352 = tpu.memref_squeeze %scatter3A_351 : memref<1x128x136xf32, #tpu.memory_space<vmem>> -> memref<128x136xf32, #tpu.memory_space<vmem>>
      tpu.vector_store_idx %scatter3A_352[%add3A_343, %broadcast_in_dim3A_280], %get3A_347 : memref<128x136xf32, #tpu.memory_space<vmem>>[vector<16xi32>, vector<16xi32>], vector<16xf32>,
      %add3A_353 = arith.constant 96 : i32
      %add3A_354 = vector.broadcast %add3A_353 : i32 to vector<16xi32>
      %add3A_355 = arith.addi %iota3A_278, %add3A_354 : vector<16xi32>
      %get3A_356 = arith.constant 1 : i32
      %get3A_357 = arith.index_cast %get3A_356 : i32 to index
      %get3A_358 = arith.constant 96 : index
      %get3A_359 = tpu.vector_load %arg12[%get3A_357, %get3A_358] {strides = array<i32>} : memref<2x128xf32, #tpu.memory_space<vmem>>, vector<16xf32>,
      %scatter3A_360 = arith.constant 1 : i32
      %scatter3A_361 = arith.constant 0 : i32
      %scatter3A_362 = arith.constant 0 : i32
      %scatter3A_363 = tpu.memref_slice %arg10[%scatter3A_360, %scatter3A_361, %scatter3A_362] : memref<2x128x136xf32, #tpu.memory_space<vmem>> -> memref<1x128x136xf32, #tpu.memory_space<vmem>>
      %scatter3A_364 = tpu.memref_squeeze %scatter3A_363 : memref<1x128x136xf32, #tpu.memory_space<vmem>> -> memref<128x136xf32, #tpu.memory_space<vmem>>
      tpu.vector_store_idx %scatter3A_364[%add3A_355, %broadcast_in_dim3A_280], %get3A_359 : memref<128x136xf32, #tpu.memory_space<vmem>>[vector<16xi32>, vector<16xi32>], vector<16xf32>,
      %add3A_365 = arith.constant 112 : i32
      %add3A_366 = vector.broadcast %add3A_365 : i32 to vector<16xi32>
      %add3A_367 = arith.addi %iota3A_278, %add3A_366 : vector<16xi32>
      %get3A_368 = arith.constant 1 : i32
      %get3A_369 = arith.index_cast %get3A_368 : i32 to index
      %get3A_370 = arith.constant 112 : index
      %get3A_371 = tpu.vector_load %arg12[%get3A_369, %get3A_370] {strides = array<i32>} : memref<2x128xf32, #tpu.memory_space<vmem>>, vector<16xf32>,
      %scatter3A_372 = arith.constant 1 : i32
      %scatter3A_373 = arith.constant 0 : i32
      %scatter3A_374 = arith.constant 0 : i32
      %scatter3A_375 = tpu.memref_slice %arg10[%scatter3A_372, %scatter3A_373, %scatter3A_374] : memref<2x128x136xf32, #tpu.memory_space<vmem>> -> memref<1x128x136xf32, #tpu.memory_space<vmem>>
      %scatter3A_376 = tpu.memref_squeeze %scatter3A_375 : memref<1x128x136xf32, #tpu.memory_space<vmem>> -> memref<128x136xf32, #tpu.memory_space<vmem>>
      tpu.vector_store_idx %scatter3A_376[%add3A_367, %broadcast_in_dim3A_280], %get3A_371 : memref<128x136xf32, #tpu.memory_space<vmem>>[vector<16xi32>, vector<16xi32>], vector<16xf32>,
      %dma_wait3A_377 = arith.constant 1 : i32
      %dma_wait3A_378 = arith.constant 0 : i32
      %dma_wait3A_379 = tpu.memref_slice %arg11[%dma_wait3A_377, %dma_wait3A_378] : memref<2x128xi32, #tpu.memory_space<vmem>> -> memref<1x128xi32, #tpu.memory_space<vmem>>
      %dma_wait3A_380 = arith.constant 0 : i32
      %dma_wait3A_381 = arith.constant 0 : i32
      %dma_wait3A_382 = tpu.memref_slice %arg5[%dma_wait3A_380, %dma_wait3A_381] : memref<1250x128xi32, #tpu.memory_space<hbm>> -> memref<1x128xi32, #tpu.memory_space<hbm>>
      %dma_wait3A_383 = arith.constant 1 : i32
      %dma_wait3A_384 = arith.constant 0 : i32
      %dma_wait3A_385 = tpu.memref_slice %arg11[%dma_wait3A_383, %dma_wait3A_384] : memref<2x128xi32, #tpu.memory_space<vmem>> -> memref<1x128xi32, #tpu.memory_space<vmem>>
      %dma_wait3A_386 = arith.constant 0 : i32
      %dma_wait3A_387 = arith.constant 0 : i32
      %dma_wait3A_388 = tpu.memref_slice %arg5[%dma_wait3A_386, %dma_wait3A_387] : memref<1250x128xi32, #tpu.memory_space<hbm>> -> memref<1x128xi32, #tpu.memory_space<hbm>>
      tpu.wait_dma2 semaphore(%arg14 : memref<!tpu.dma_semaphore, #tpu.memory_space<semaphore_mem>>) src(%dma_wait3A_388 : memref<1x128xi32, #tpu.memory_space<hbm>>) dst(%dma_wait3A_385 : memref<1x128xi32, #tpu.memory_space<vmem>>)
      %dma_start3A_389 = arith.constant 1 : i32
      %dma_start3A_390 = arith.constant 1 : i32
      %dma_start3A_391 = arith.constant 0 : i32
      %dma_start3A_392 = arith.constant 0 : i32
      %dma_start3A_393 = tpu.memref_slice %arg10[%dma_start3A_389, %dma_start3A_391, %dma_start3A_392] : memref<2x128x136xf32, #tpu.memory_space<vmem>> -> memref<1x128x136xf32, #tpu.memory_space<vmem>>
      %dma_start3A_394 = tpu.memref_squeeze %dma_start3A_393 : memref<1x128x136xf32, #tpu.memory_space<vmem>> -> memref<128x136xf32, #tpu.memory_space<vmem>>
      %dma_start3A_395 = arith.constant 0 : i32
      %dma_start3A_396 = tpu.memref_slice %arg11[%dma_start3A_390, %dma_start3A_395] : memref<2x128xi32, #tpu.memory_space<vmem>> -> memref<1x128xi32, #tpu.memory_space<vmem>>
      %dma_start3A_397 = tpu.memref_squeeze %dma_start3A_396 : memref<1x128xi32, #tpu.memory_space<vmem>> -> memref<128xi32, #tpu.memory_space<vmem>>
      %dma_start3A_398 = arith.constant 0 : i32
      %dma_start3A_399 = arith.constant 0 : i32
      %dma_start3A_400 = tpu.memref_slice %arg9[%dma_start3A_398, %dma_start3A_399] : memref<10000x136xf32, #tpu.memory_space<vmem_shared>> -> memref<10000x136xf32, #tpu.memory_space<vmem_shared>>
      tpu.enqueue_indirect_dma source(%dma_start3A_394 : memref<128x136xf32, #tpu.memory_space<vmem>>) target(%dma_start3A_400 : memref<10000x136xf32, #tpu.memory_space<vmem_shared>>) offsets(%dma_start3A_397 : memref<128xi32, #tpu.memory_space<vmem>>) semaphore(%arg16 : memref<!tpu.dma_semaphore, #tpu.memory_space<semaphore_mem>>) {add = true}
      %dma_wait3A_401 = arith.constant 0 : i32
      %dma_wait3A_402 = arith.constant 0 : i32
      %dma_wait3A_403 = arith.constant 0 : i32
      %dma_wait3A_404 = arith.constant 0 : i32
      %dma_wait3A_405 = tpu.memref_slice %arg10[%dma_wait3A_401, %dma_wait3A_403, %dma_wait3A_404] : memref<2x128x136xf32, #tpu.memory_space<vmem>> -> memref<1x128x136xf32, #tpu.memory_space<vmem>>
      %dma_wait3A_406 = tpu.memref_squeeze %dma_wait3A_405 : memref<1x128x136xf32, #tpu.memory_space<vmem>> -> memref<128x136xf32, #tpu.memory_space<vmem>>
      %dma_wait3A_407 = arith.constant 0 : i32
      %dma_wait3A_408 = tpu.memref_slice %arg11[%dma_wait3A_402, %dma_wait3A_407] : memref<2x128xi32, #tpu.memory_space<vmem>> -> memref<1x128xi32, #tpu.memory_space<vmem>>
      %dma_wait3A_409 = tpu.memref_squeeze %dma_wait3A_408 : memref<1x128xi32, #tpu.memory_space<vmem>> -> memref<128xi32, #tpu.memory_space<vmem>>
      %dma_wait3A_410 = arith.constant 0 : i32
      %dma_wait3A_411 = arith.constant 0 : i32
      %dma_wait3A_412 = tpu.memref_slice %arg9[%dma_wait3A_410, %dma_wait3A_411] : memref<10000x136xf32, #tpu.memory_space<vmem_shared>> -> memref<10000x136xf32, #tpu.memory_space<vmem_shared>>
      tpu.wait_indirect_dma semaphore(%arg15 : memref<!tpu.dma_semaphore, #tpu.memory_space<semaphore_mem>>) src(%dma_wait3A_406 : memref<128x136xf32, #tpu.memory_space<vmem>>) dst(%dma_wait3A_412 : memref<10000x136xf32, #tpu.memory_space<vmem_shared>>)
      %sub3A_413 = arith.constant 1 : i32
      %sub3A_414 = arith.subi %mul3A_8, %sub3A_413 : i32
      %lt3A_415 = arith.cmpi slt, %add3A_107, %sub3A_414 : i32
      %convert_element_type3A = arith.extui %lt3A_415 : i1 to i32
      %cond3A = arith.constant 0 : i32
      %cond3A_416 = arith.cmpi ne, %convert_element_type3A, %cond3A : i32
      scf.if %cond3A_416 {
        %add3A_435 = arith.constant 1 : i32
        %add3A_436 = arith.addi %add3A_107, %add3A_435 : i32
        %add3A_437 = arith.addi %mul3A_2, %add3A_436 : i32
        %mul3A_438 = arith.constant 128 : i32
        %mul3A_439 = arith.muli %add3A_437, %mul3A_438 : i32
        %dma_start3A_440 = arith.constant 0 : i32
        %dma_start3A_441 = arith.constant 0 : i32
        %dma_start3A_442 = arith.constant 0 : i32
        %dma_start3A_443 = tpu.memref_slice %arg10[%dma_start3A_440, %dma_start3A_441, %dma_start3A_442] : memref<2x128x136xf32, #tpu.memory_space<vmem>> -> memref<1x128x128xf32, #tpu.memory_space<vmem>>
        %dma_start3A_444 = tpu.memref_squeeze %dma_start3A_443 : memref<1x128x128xf32, #tpu.memory_space<vmem>> -> memref<128x128xf32, #tpu.memory_space<vmem>>
        %dma_start3A_445 = arith.constant 0 : i32
        %dma_start3A_446 = tpu.memref_slice %arg2[%mul3A_439, %dma_start3A_445] : memref<160000x128xf32, #tpu.memory_space<hbm>> -> memref<128x128xf32, #tpu.memory_space<hbm>>
        %dma_start3A_447 = arith.constant 0 : i32
        %dma_start3A_448 = arith.constant 0 : i32
        %dma_start3A_449 = tpu.memref_slice %arg10[%dma_start3A_440, %dma_start3A_447, %dma_start3A_448] : memref<2x128x136xf32, #tpu.memory_space<vmem>> -> memref<1x128x128xf32, #tpu.memory_space<vmem>>
        %dma_start3A_450 = tpu.memref_squeeze %dma_start3A_449 : memref<1x128x128xf32, #tpu.memory_space<vmem>> -> memref<128x128xf32, #tpu.memory_space<vmem>>
        %dma_start3A_451 = arith.constant 0 : i32
        %dma_start3A_452 = tpu.memref_slice %arg2[%mul3A_439, %dma_start3A_451] : memref<160000x128xf32, #tpu.memory_space<hbm>> -> memref<128x128xf32, #tpu.memory_space<hbm>>
        tpu.enqueue_dma source(%dma_start3A_452 : memref<128x128xf32, #tpu.memory_space<hbm>>) target(%dma_start3A_450 : memref<128x128xf32, #tpu.memory_space<vmem>>) target_semaphore(%arg13 : memref<!tpu.dma_semaphore, #tpu.memory_space<semaphore_mem>>)
        %dma_start3A_453 = arith.constant 0 : i32
        %dma_start3A_454 = arith.constant 0 : i32
        %dma_start3A_455 = tpu.memref_slice %arg12[%dma_start3A_453, %dma_start3A_454] : memref<2x128xf32, #tpu.memory_space<vmem>> -> memref<1x128xf32, #tpu.memory_space<vmem>>
        %dma_start3A_456 = tpu.memref_squeeze %dma_start3A_455 : memref<1x128xf32, #tpu.memory_space<vmem>> -> memref<128xf32, #tpu.memory_space<vmem>>
        %dma_start3A_457 = tpu.memref_slice %arg6[%mul3A_439] : memref<160000xf32, #tpu.memory_space<hbm>> -> memref<128xf32, #tpu.memory_space<hbm>>
        %dma_start3A_458 = arith.constant 0 : i32
        %dma_start3A_459 = tpu.memref_slice %arg12[%dma_start3A_453, %dma_start3A_458] : memref<2x128xf32, #tpu.memory_space<vmem>> -> memref<1x128xf32, #tpu.memory_space<vmem>>
        %dma_start3A_460 = tpu.memref_squeeze %dma_start3A_459 : memref<1x128xf32, #tpu.memory_space<vmem>> -> memref<128xf32, #tpu.memory_space<vmem>>
        %dma_start3A_461 = tpu.memref_slice %arg6[%mul3A_439] : memref<160000xf32, #tpu.memory_space<hbm>> -> memref<128xf32, #tpu.memory_space<hbm>>
        tpu.enqueue_dma source(%dma_start3A_461 : memref<128xf32, #tpu.memory_space<hbm>>) target(%dma_start3A_460 : memref<128xf32, #tpu.memory_space<vmem>>) target_semaphore(%arg13 : memref<!tpu.dma_semaphore, #tpu.memory_space<semaphore_mem>>)
        %add3A_462 = arith.addi %mul3A_2, %add3A_436 : i32
        %dma_start3A_463 = arith.constant 0 : i32
        %dma_start3A_464 = arith.constant 0 : i32
        %dma_start3A_465 = tpu.memref_slice %arg11[%dma_start3A_463, %dma_start3A_464] : memref<2x128xi32, #tpu.memory_space<vmem>> -> memref<1x128xi32, #tpu.memory_space<vmem>>
        %dma_start3A_466 = arith.constant 0 : i32
        %dma_start3A_467 = tpu.memref_slice %arg4[%add3A_462, %dma_start3A_466] : memref<1250x128xi32, #tpu.memory_space<hbm>> -> memref<1x128xi32, #tpu.memory_space<hbm>>
        %dma_start3A_468 = arith.constant 0 : i32
        %dma_start3A_469 = arith.constant 0 : i32
        %dma_start3A_470 = tpu.memref_slice %arg11[%dma_start3A_468, %dma_start3A_469] : memref<2x128xi32, #tpu.memory_space<vmem>> -> memref<1x128xi32, #tpu.memory_space<vmem>>
        %dma_start3A_471 = arith.constant 0 : i32
        %dma_start3A_472 = tpu.memref_slice %arg4[%add3A_462, %dma_start3A_471] : memref<1250x128xi32, #tpu.memory_space<hbm>> -> memref<1x128xi32, #tpu.memory_space<hbm>>
        tpu.enqueue_dma source(%dma_start3A_472 : memref<1x128xi32, #tpu.memory_space<hbm>>) target(%dma_start3A_470 : memref<1x128xi32, #tpu.memory_space<vmem>>) target_semaphore(%arg13 : memref<!tpu.dma_semaphore, #tpu.memory_space<semaphore_mem>>)
      } else {
      }
      %dma_wait3A_417 = arith.constant 1 : i32
      %dma_wait3A_418 = arith.constant 1 : i32
      %dma_wait3A_419 = arith.constant 0 : i32
      %dma_wait3A_420 = arith.constant 0 : i32
      %dma_wait3A_421 = tpu.memref_slice %arg10[%dma_wait3A_417, %dma_wait3A_419, %dma_wait3A_420] : memref<2x128x136xf32, #tpu.memory_space<vmem>> -> memref<1x128x136xf32, #tpu.memory_space<vmem>>
      %dma_wait3A_422 = tpu.memref_squeeze %dma_wait3A_421 : memref<1x128x136xf32, #tpu.memory_space<vmem>> -> memref<128x136xf32, #tpu.memory_space<vmem>>
      %dma_wait3A_423 = arith.constant 0 : i32
      %dma_wait3A_424 = tpu.memref_slice %arg11[%dma_wait3A_418, %dma_wait3A_423] : memref<2x128xi32, #tpu.memory_space<vmem>> -> memref<1x128xi32, #tpu.memory_space<vmem>>
      %dma_wait3A_425 = tpu.memref_squeeze %dma_wait3A_424 : memref<1x128xi32, #tpu.memory_space<vmem>> -> memref<128xi32, #tpu.memory_space<vmem>>
      %dma_wait3A_426 = arith.constant 0 : i32
      %dma_wait3A_427 = arith.constant 0 : i32
      %dma_wait3A_428 = tpu.memref_slice %arg9[%dma_wait3A_426, %dma_wait3A_427] : memref<10000x136xf32, #tpu.memory_space<vmem_shared>> -> memref<10000x136xf32, #tpu.memory_space<vmem_shared>>
      tpu.wait_indirect_dma semaphore(%arg16 : memref<!tpu.dma_semaphore, #tpu.memory_space<semaphore_mem>>) src(%dma_wait3A_422 : memref<128x136xf32, #tpu.memory_space<vmem>>) dst(%dma_wait3A_428 : memref<10000x136xf32, #tpu.memory_space<vmem_shared>>)
      %sub3A_429 = arith.constant 1 : i32
      %sub3A_430 = arith.subi %mul3A_8, %sub3A_429 : i32
      %lt3A_431 = arith.cmpi slt, %add3A_107, %sub3A_430 : i32
      %convert_element_type3A_432 = arith.extui %lt3A_431 : i1 to i32
      %cond3A_433 = arith.constant 0 : i32
      %cond3A_434 = arith.cmpi ne, %convert_element_type3A_432, %cond3A_433 : i32
      scf.if %cond3A_434 {
        %add3A_435 = arith.constant 1 : i32
        %add3A_436 = arith.addi %add3A_107, %add3A_435 : i32
        %add3A_437 = arith.addi %mul3A_2, %add3A_436 : i32
        %mul3A_438 = arith.constant 128 : i32
        %mul3A_439 = arith.muli %add3A_437, %mul3A_438 : i32
        %dma_start3A_440 = arith.constant 1 : i32
        %dma_start3A_441 = arith.constant 0 : i32
        %dma_start3A_442 = arith.constant 0 : i32
        %dma_start3A_443 = tpu.memref_slice %arg10[%dma_start3A_440, %dma_start3A_441, %dma_start3A_442] : memref<2x128x136xf32, #tpu.memory_space<vmem>> -> memref<1x128x128xf32, #tpu.memory_space<vmem>>
        %dma_start3A_444 = tpu.memref_squeeze %dma_start3A_443 : memref<1x128x128xf32, #tpu.memory_space<vmem>> -> memref<128x128xf32, #tpu.memory_space<vmem>>
        %dma_start3A_445 = arith.constant 0 : i32
        %dma_start3A_446 = tpu.memref_slice %arg3[%mul3A_439, %dma_start3A_445] : memref<160000x128xf32, #tpu.memory_space<hbm>> -> memref<128x128xf32, #tpu.memory_space<hbm>>
        %dma_start3A_447 = arith.constant 0 : i32
        %dma_start3A_448 = arith.constant 0 : i32
        %dma_start3A_449 = tpu.memref_slice %arg10[%dma_start3A_440, %dma_start3A_447, %dma_start3A_448] : memref<2x128x136xf32, #tpu.memory_space<vmem>> -> memref<1x128x128xf32, #tpu.memory_space<vmem>>
        %dma_start3A_450 = tpu.memref_squeeze %dma_start3A_449 : memref<1x128x128xf32, #tpu.memory_space<vmem>> -> memref<128x128xf32, #tpu.memory_space<vmem>>
        %dma_start3A_451 = arith.constant 0 : i32
        %dma_start3A_452 = tpu.memref_slice %arg3[%mul3A_439, %dma_start3A_451] : memref<160000x128xf32, #tpu.memory_space<hbm>> -> memref<128x128xf32, #tpu.memory_space<hbm>>
        tpu.enqueue_dma source(%dma_start3A_452 : memref<128x128xf32, #tpu.memory_space<hbm>>) target(%dma_start3A_450 : memref<128x128xf32, #tpu.memory_space<vmem>>) target_semaphore(%arg14 : memref<!tpu.dma_semaphore, #tpu.memory_space<semaphore_mem>>)
        %dma_start3A_453 = arith.constant 1 : i32
        %dma_start3A_454 = arith.constant 0 : i32
        %dma_start3A_455 = tpu.memref_slice %arg12[%dma_start3A_453, %dma_start3A_454] : memref<2x128xf32, #tpu.memory_space<vmem>> -> memref<1x128xf32, #tpu.memory_space<vmem>>
        %dma_start3A_456 = tpu.memref_squeeze %dma_start3A_455 : memref<1x128xf32, #tpu.memory_space<vmem>> -> memref<128xf32, #tpu.memory_space<vmem>>
        %dma_start3A_457 = tpu.memref_slice %arg6[%mul3A_439] : memref<160000xf32, #tpu.memory_space<hbm>> -> memref<128xf32, #tpu.memory_space<hbm>>
        %dma_start3A_458 = arith.constant 0 : i32
        %dma_start3A_459 = tpu.memref_slice %arg12[%dma_start3A_453, %dma_start3A_458] : memref<2x128xf32, #tpu.memory_space<vmem>> -> memref<1x128xf32, #tpu.memory_space<vmem>>
        %dma_start3A_460 = tpu.memref_squeeze %dma_start3A_459 : memref<1x128xf32, #tpu.memory_space<vmem>> -> memref<128xf32, #tpu.memory_space<vmem>>
        %dma_start3A_461 = tpu.memref_slice %arg6[%mul3A_439] : memref<160000xf32, #tpu.memory_space<hbm>> -> memref<128xf32, #tpu.memory_space<hbm>>
        tpu.enqueue_dma source(%dma_start3A_461 : memref<128xf32, #tpu.memory_space<hbm>>) target(%dma_start3A_460 : memref<128xf32, #tpu.memory_space<vmem>>) target_semaphore(%arg14 : memref<!tpu.dma_semaphore, #tpu.memory_space<semaphore_mem>>)
        %add3A_462 = arith.addi %mul3A_2, %add3A_436 : i32
        %dma_start3A_463 = arith.constant 1 : i32
        %dma_start3A_464 = arith.constant 0 : i32
        %dma_start3A_465 = tpu.memref_slice %arg11[%dma_start3A_463, %dma_start3A_464] : memref<2x128xi32, #tpu.memory_space<vmem>> -> memref<1x128xi32, #tpu.memory_space<vmem>>
        %dma_start3A_466 = arith.constant 0 : i32
        %dma_start3A_467 = tpu.memref_slice %arg5[%add3A_462, %dma_start3A_466] : memref<1250x128xi32, #tpu.memory_space<hbm>> -> memref<1x128xi32, #tpu.memory_space<hbm>>
        %dma_start3A_468 = arith.constant 1 : i32
        %dma_start3A_469 = arith.constant 0 : i32
        %dma_start3A_470 = tpu.memref_slice %arg11[%dma_start3A_468, %dma_start3A_469] : memref<2x128xi32, #tpu.memory_space<vmem>> -> memref<1x128xi32, #tpu.memory_space<vmem>>
        %dma_start3A_471 = arith.constant 0 : i32
        %dma_start3A_472 = tpu.memref_slice %arg5[%add3A_462, %dma_start3A_471] : memref<1250x128xi32, #tpu.memory_space<hbm>> -> memref<1x128xi32, #tpu.memory_space<hbm>>
        tpu.enqueue_dma source(%dma_start3A_472 : memref<1x128xi32, #tpu.memory_space<hbm>>) target(%dma_start3A_470 : memref<1x128xi32, #tpu.memory_space<vmem>>) target_semaphore(%arg14 : memref<!tpu.dma_semaphore, #tpu.memory_space<semaphore_mem>>)
      } else {
      }
    }
    %barrier3A_100 = arith.constant 0 : index
    tpu.barrier barrier_id(%barrier3A_100)
    %mul3A_101 = arith.constant 625 : i32
    %mul3A_102 = arith.muli %arg1, %mul3A_101 : i32
    %mul3A_103 = arith.constant 625 : i32
    %mul3A_104 = arith.muli %arg1, %mul3A_103 : i32
    "tpu.region"() ({
      %run_scoped3A = tpu.sem_alloc : memref<!tpu.dma_semaphore, #tpu.memory_space<semaphore_mem>>
      %dma_start3A_105 = arith.constant 0 : i32
      %dma_start3A_106 = tpu.memref_slice %arg8[%arg0, %mul3A_104, %dma_start3A_105] : memref<2x10000x136xf32, #tpu.memory_space<hbm>> -> memref<1x625x136xf32, #tpu.memory_space<hbm>>
      %dma_start3A_107 = tpu.memref_squeeze %dma_start3A_106 : memref<1x625x136xf32, #tpu.memory_space<hbm>> -> memref<625x136xf32, #tpu.memory_space<hbm>>
      %dma_start3A_108 = arith.constant 0 : i32
      %dma_start3A_109 = tpu.memref_slice %arg9[%mul3A_102, %dma_start3A_108] : memref<10000x136xf32, #tpu.memory_space<vmem_shared>> -> memref<625x136xf32, #tpu.memory_space<vmem_shared>>
      tpu.enqueue_dma source(%dma_start3A_109 : memref<625x136xf32, #tpu.memory_space<vmem_shared>>) target(%dma_start3A_107 : memref<625x136xf32, #tpu.memory_space<hbm>>) target_semaphore(%run_scoped3A : memref<!tpu.dma_semaphore, #tpu.memory_space<semaphore_mem>>)
      %dma_wait3A = arith.constant 0 : i32
      %dma_wait3A_110 = tpu.memref_slice %arg8[%arg0, %mul3A_104, %dma_wait3A] : memref<2x10000x136xf32, #tpu.memory_space<hbm>> -> memref<1x625x136xf32, #tpu.memory_space<hbm>>
      %dma_wait3A_111 = tpu.memref_squeeze %dma_wait3A_110 : memref<1x625x136xf32, #tpu.memory_space<hbm>> -> memref<625x136xf32, #tpu.memory_space<hbm>>
      %dma_wait3A_112 = arith.constant 0 : i32
      %dma_wait3A_113 = tpu.memref_slice %arg9[%mul3A_102, %dma_wait3A_112] : memref<10000x136xf32, #tpu.memory_space<vmem_shared>> -> memref<625x136xf32, #tpu.memory_space<vmem_shared>>
      tpu.wait_dma2 semaphore(%run_scoped3A : memref<!tpu.dma_semaphore, #tpu.memory_space<semaphore_mem>>) src(%dma_wait3A_113 : memref<625x136xf32, #tpu.memory_space<vmem_shared>>) dst(%dma_wait3A_111 : memref<625x136xf32, #tpu.memory_space<hbm>>)
      tpu.yield
    }) : () -> ()
    return
  }
}

module attributes {stable_mosaic.version = 14 : i64} {
  func.func @_tc_fused_kernel(%arg0: i32, %arg1: memref<1x1000x136xf32, #tpu.memory_space<vmem>>, %arg2: memref<1x1000x136xf32, #tpu.memory_space<vmem>>, %arg3: memref<1000x128xf32, #tpu.memory_space<vmem>>, %arg4: memref<136x136xf32, #tpu.memory_space<vmem>>, %arg5: memref<1x136xf32, #tpu.memory_space<vmem>>, %arg6: memref<1x136xf32, #tpu.memory_space<vmem>>, %arg7: memref<1x136xf32, #tpu.memory_space<vmem>>, %arg8: memref<128x257xf32, #tpu.memory_space<vmem>>, %arg9: memref<136x257xf32, #tpu.memory_space<vmem>>, %arg10: memref<1x257xf32, #tpu.memory_space<vmem>>, %arg11: memref<1000x257xf32, #tpu.memory_space<vmem>>, %arg12: memref<10000x136xf32, #tpu.memory_space<vmem>>, %arg13: memref<2x136xf32, #tpu.memory_space<vmem>>) attributes {dimension_semantics = [#tpu.dimension_semantics<arbitrary>], iteration_bounds = array<i64: 20>, scalar_prefetch = 0 : i64, scratch_operands = 2 : i64, tpu.core_type = #tpu.core_type<tc>, window_params = [{transform_indices = @transform_0, window_bounds = array<i64: 1, 1000, 136>}, {transform_indices = @transform_1, window_bounds = array<i64: 1, 1000, 136>}, {transform_indices = @transform_2, window_bounds = array<i64: 1000, 128>}, {pipeline_mode = #tpu.pipeline_mode<synchronous>, transform_indices = @transform_3, window_bounds = array<i64: 136, 136>}, {pipeline_mode = #tpu.pipeline_mode<synchronous>, transform_indices = @transform_4, window_bounds = array<i64: 1, 136>}, {pipeline_mode = #tpu.pipeline_mode<synchronous>, transform_indices = @transform_5, window_bounds = array<i64: 1, 136>}, {pipeline_mode = #tpu.pipeline_mode<synchronous>, transform_indices = @transform_6, window_bounds = array<i64: 1, 136>}, {pipeline_mode = #tpu.pipeline_mode<synchronous>, transform_indices = @transform_7, window_bounds = array<i64: 128, 257>}, {pipeline_mode = #tpu.pipeline_mode<synchronous>, transform_indices = @transform_8, window_bounds = array<i64: 136, 257>}, {pipeline_mode = #tpu.pipeline_mode<synchronous>, transform_indices = @transform_9, window_bounds = array<i64: 1, 257>}, {transform_indices = @transform_10, window_bounds = array<i64: 1000, 257>}]} {
    %lt3A = arith.constant 10 : i32
    %lt3A_0 = arith.cmpi slt, %arg0, %lt3A : i32
    %convert_element_type3A = arith.extui %lt3A_0 : i1 to i32
    %cond3A = arith.constant 0 : i32
    %cond3A_1 = arith.cmpi ne, %convert_element_type3A, %cond3A : i32
    scf.if %cond3A_1 {
      %get3A = arith.constant 0 : index
      %get3A_6 = arith.constant 0 : index
      %get3A_7 = arith.constant 0 : index
      %get3A_8 = vector.load %arg1[%get3A, %get3A_6, %get3A_7] : memref<1x1000x136xf32, #tpu.memory_space<vmem>>, vector<1x1000x136xf32>
      %get3A_9 = vector.shape_cast %get3A_8 : vector<1x1000x136xf32> to vector<1000x136xf32>
      %get3A_10 = arith.constant 0 : index
      %get3A_11 = arith.constant 0 : index
      %get3A_12 = arith.constant 0 : index
      %get3A_13 = vector.load %arg2[%get3A_10, %get3A_11, %get3A_12] : memref<1x1000x136xf32, #tpu.memory_space<vmem>>, vector<1x1000x136xf32>
      %get3A_14 = vector.shape_cast %get3A_13 : vector<1x1000x136xf32> to vector<1000x136xf32>
      %add3A = arith.addf %get3A_9, %get3A_14 : vector<1000x136xf32>
      %mul3A = arith.constant 1000 : i32
      %mul3A_15 = arith.muli %arg0, %mul3A : i32
      %swap3A = arith.index_cast %mul3A_15 : i32 to index
      %swap3A_16 = arith.constant 0 : index
      %swap3A_17 = vector.load %arg12[%swap3A, %swap3A_16] : memref<10000x136xf32, #tpu.memory_space<vmem>>, vector<1000x136xf32>
      tpu.vector_store %arg12[%swap3A, %swap3A_16], %add3A {strides = array<i32>} : memref<10000x136xf32, #tpu.memory_space<vmem>>, vector<1000x136xf32>,
      %eq3A = arith.constant 0 : i32
      %eq3A_18 = arith.cmpi eq, %arg0, %eq3A : i32
      %convert_element_type3A_19 = arith.extui %eq3A_18 : i1 to i32
      %cond3A_20 = arith.constant 0 : i32
      %cond3A_21 = arith.cmpi ne, %convert_element_type3A_19, %cond3A_20 : i32
      scf.if %cond3A_21 {
        %broadcast_in_dim3A_41 = arith.constant 0.000000e+00 : f32
        %broadcast_in_dim3A_42 = vector.broadcast %broadcast_in_dim3A_41 : f32 to vector<2x136xf32>
        %swap3A_43 = arith.constant 0 : index
        %swap3A_44 = arith.constant 0 : index
        %swap3A_45 = vector.load %arg13[%swap3A_43, %swap3A_44] : memref<2x136xf32, #tpu.memory_space<vmem>>, vector<2x136xf32>
        tpu.vector_store %arg13[%swap3A_43, %swap3A_44], %broadcast_in_dim3A_42 {strides = array<i32>} : memref<2x136xf32, #tpu.memory_space<vmem>>, vector<2x136xf32>,
      } else {
      }
      %get3A_22 = arith.constant 0 : index
      %get3A_23 = arith.constant 0 : index
      %get3A_24 = vector.load %arg13[%get3A_22, %get3A_23] : memref<2x136xf32, #tpu.memory_space<vmem>>, vector<1x136xf32>
      %reduce_sum3A = arith.constant dense<0.000000e+00> : vector<136xf32>
      %reduce_sum3A_25 = vector.multi_reduction <add>, %add3A, %reduce_sum3A [0] : vector<1000x136xf32> to vector<136xf32>
      %broadcast_in_dim3A = vector.shape_cast %reduce_sum3A_25 : vector<136xf32> to vector<1x136xf32>
      %add3A_26 = arith.addf %get3A_24, %broadcast_in_dim3A : vector<1x136xf32>
      %swap3A_27 = arith.constant 0 : index
      %swap3A_28 = arith.constant 0 : index
      %swap3A_29 = vector.load %arg13[%swap3A_27, %swap3A_28] : memref<2x136xf32, #tpu.memory_space<vmem>>, vector<1x136xf32>
      tpu.vector_store %arg13[%swap3A_27, %swap3A_28], %add3A_26 {strides = array<i32>} : memref<2x136xf32, #tpu.memory_space<vmem>>, vector<1x136xf32>,
      %get3A_30 = arith.constant 1 : index
      %get3A_31 = arith.constant 0 : index
      %get3A_32 = vector.load %arg13[%get3A_30, %get3A_31] : memref<2x136xf32, #tpu.memory_space<vmem>>, vector<1x136xf32>
      %mul3A_33 = arith.mulf %add3A, %add3A : vector<1000x136xf32>
      %reduce_sum3A_34 = arith.constant dense<0.000000e+00> : vector<136xf32>
      %reduce_sum3A_35 = vector.multi_reduction <add>, %mul3A_33, %reduce_sum3A_34 [0] : vector<1000x136xf32> to vector<136xf32>
      %broadcast_in_dim3A_36 = vector.shape_cast %reduce_sum3A_35 : vector<136xf32> to vector<1x136xf32>
      %add3A_37 = arith.addf %get3A_32, %broadcast_in_dim3A_36 : vector<1x136xf32>
      %swap3A_38 = arith.constant 1 : index
      %swap3A_39 = arith.constant 0 : index
      %swap3A_40 = vector.load %arg13[%swap3A_38, %swap3A_39] : memref<2x136xf32, #tpu.memory_space<vmem>>, vector<1x136xf32>
      tpu.vector_store %arg13[%swap3A_38, %swap3A_39], %add3A_37 {strides = array<i32>} : memref<2x136xf32, #tpu.memory_space<vmem>>, vector<1x136xf32>,
    } else {
    }
    %ge3A = arith.constant 10 : i32
    %ge3A_2 = arith.cmpi sge, %arg0, %ge3A : i32
    %convert_element_type3A_3 = arith.extui %ge3A_2 : i1 to i32
    %cond3A_4 = arith.constant 0 : i32
    %cond3A_5 = arith.cmpi ne, %convert_element_type3A_3, %cond3A_4 : i32
    scf.if %cond3A_5 {
      %sub3A = arith.constant 10 : i32
      %sub3A_6 = arith.subi %arg0, %sub3A : i32
      %mul3A = arith.constant 1000 : i32
      %mul3A_7 = arith.muli %sub3A_6, %mul3A : i32
      %get3A = arith.index_cast %mul3A_7 : i32 to index
      %get3A_8 = arith.constant 0 : index
      %get3A_9 = vector.load %arg12[%get3A, %get3A_8] : memref<10000x136xf32, #tpu.memory_space<vmem>>, vector<1000x136xf32>
      %get3A_10 = arith.constant 0 : index
      %get3A_11 = arith.constant 0 : index
      %get3A_12 = vector.load %arg13[%get3A_10, %get3A_11] : memref<2x136xf32, #tpu.memory_space<vmem>>, vector<1x136xf32>
      %mul3A_13 = arith.constant 9.99999974E-5 : f32
      %mul3A_14 = vector.broadcast %mul3A_13 : f32 to vector<1x136xf32>
      %mul3A_15 = arith.mulf %get3A_12, %mul3A_14 : vector<1x136xf32>
      %get3A_16 = arith.constant 1 : index
      %get3A_17 = arith.constant 0 : index
      %get3A_18 = vector.load %arg13[%get3A_16, %get3A_17] : memref<2x136xf32, #tpu.memory_space<vmem>>, vector<1x136xf32>
      %mul3A_19 = arith.constant 9.99999974E-5 : f32
      %mul3A_20 = vector.broadcast %mul3A_19 : f32 to vector<1x136xf32>
      %mul3A_21 = arith.mulf %get3A_18, %mul3A_20 : vector<1x136xf32>
      %mul3A_22 = arith.mulf %mul3A_15, %mul3A_15 : vector<1x136xf32>
      %sub3A_23 = arith.subf %mul3A_21, %mul3A_22 : vector<1x136xf32>
      %add3A = arith.constant 9.99999974E-6 : f32
      %add3A_24 = vector.broadcast %add3A : f32 to vector<1x136xf32>
      %add3A_25 = arith.addf %sub3A_23, %add3A_24 : vector<1x136xf32>
      %rsqrt3A = math.rsqrt %add3A_25 : vector<1x136xf32>
      %sub3A_26 = vector.broadcast %mul3A_15 : vector<1x136xf32> to vector<1000x136xf32>
      %sub3A_27 = arith.subf %get3A_9, %sub3A_26 : vector<1000x136xf32>
      %get3A_28 = arith.constant 0 : index
      %get3A_29 = arith.constant 0 : index
      %get3A_30 = vector.load %arg6[%get3A_28, %get3A_29] : memref<1x136xf32, #tpu.memory_space<vmem>>, vector<1x136xf32>
      %mul3A_31 = arith.mulf %rsqrt3A, %get3A_30 : vector<1x136xf32>
      %mul3A_32 = vector.broadcast %mul3A_31 : vector<1x136xf32> to vector<1000x136xf32>
      %mul3A_33 = arith.mulf %sub3A_27, %mul3A_32 : vector<1000x136xf32>
      %get3A_34 = arith.constant 0 : index
      %get3A_35 = arith.constant 0 : index
      %get3A_36 = vector.load %arg7[%get3A_34, %get3A_35] : memref<1x136xf32, #tpu.memory_space<vmem>>, vector<1x136xf32>
      %add3A_37 = vector.broadcast %get3A_36 : vector<1x136xf32> to vector<1000x136xf32>
      %add3A_38 = arith.addf %mul3A_33, %add3A_37 : vector<1000x136xf32>
      %get3A_39 = arith.constant 0 : index
      %get3A_40 = arith.constant 0 : index
      %get3A_41 = vector.load %arg4[%get3A_39, %get3A_40] : memref<136x136xf32, #tpu.memory_space<vmem>>, vector<136x136xf32>
      %dot_general3A = arith.constant dense<0.000000e+00> : vector<1000x136xf32>
      %dot_general3A_42 = tpu.matmul %add3A_38, %get3A_41, %dot_general3A {dimension_numbers = #tpu.dot_dimension_numbers<[1], [0], [0], [1], [0, 0, 1, 1], [], []>, transpose_lhs_hint = false} : vector<1000x136xf32>, vector<136x136xf32>, vector<1000x136xf32> -> vector<1000x136xf32>
      %get3A_43 = arith.constant 0 : index
      %get3A_44 = arith.constant 0 : index
      %get3A_45 = vector.load %arg5[%get3A_43, %get3A_44] : memref<1x136xf32, #tpu.memory_space<vmem>>, vector<1x136xf32>
      %add3A_46 = vector.broadcast %get3A_45 : vector<1x136xf32> to vector<1000x136xf32>
      %add3A_47 = arith.addf %dot_general3A_42, %add3A_46 : vector<1000x136xf32>
      %max3A = arith.constant 0.000000e+00 : f32
      %max3A_48 = vector.broadcast %max3A : f32 to vector<1000x136xf32>
      %max3A_49 = arith.maximumf %add3A_47, %max3A_48 : vector<1000x136xf32>
      %get3A_50 = arith.constant 0 : index
      %get3A_51 = arith.constant 0 : index
      %get3A_52 = vector.load %arg3[%get3A_50, %get3A_51] : memref<1000x128xf32, #tpu.memory_space<vmem>>, vector<1000x128xf32>
      %get3A_53 = arith.constant 0 : index
      %get3A_54 = arith.constant 0 : index
      %get3A_55 = vector.load %arg8[%get3A_53, %get3A_54] : memref<128x257xf32, #tpu.memory_space<vmem>>, vector<128x257xf32>
      %dot_general3A_56 = arith.constant dense<0.000000e+00> : vector<1000x257xf32>
      %dot_general3A_57 = tpu.matmul %get3A_52, %get3A_55, %dot_general3A_56 {dimension_numbers = #tpu.dot_dimension_numbers<[1], [0], [0], [1], [0, 0, 1, 1], [], []>, transpose_lhs_hint = false} : vector<1000x128xf32>, vector<128x257xf32>, vector<1000x257xf32> -> vector<1000x257xf32>
      %get3A_58 = arith.constant 0 : index
      %get3A_59 = arith.constant 0 : index
      %get3A_60 = vector.load %arg9[%get3A_58, %get3A_59] : memref<136x257xf32, #tpu.memory_space<vmem>>, vector<136x257xf32>
      %dot_general3A_61 = arith.constant dense<0.000000e+00> : vector<1000x257xf32>
      %dot_general3A_62 = tpu.matmul %max3A_49, %get3A_60, %dot_general3A_61 {dimension_numbers = #tpu.dot_dimension_numbers<[1], [0], [0], [1], [0, 0, 1, 1], [], []>, transpose_lhs_hint = false} : vector<1000x136xf32>, vector<136x257xf32>, vector<1000x257xf32> -> vector<1000x257xf32>
      %add3A_63 = arith.addf %dot_general3A_57, %dot_general3A_62 : vector<1000x257xf32>
      %get3A_64 = arith.constant 0 : index
      %get3A_65 = arith.constant 0 : index
      %get3A_66 = vector.load %arg10[%get3A_64, %get3A_65] : memref<1x257xf32, #tpu.memory_space<vmem>>, vector<1x257xf32>
      %add3A_67 = vector.broadcast %get3A_66 : vector<1x257xf32> to vector<1000x257xf32>
      %add3A_68 = arith.addf %add3A_63, %add3A_67 : vector<1000x257xf32>
      %swap3A = arith.constant 0 : index
      %swap3A_69 = arith.constant 0 : index
      %swap3A_70 = vector.load %arg11[%swap3A, %swap3A_69] : memref<1000x257xf32, #tpu.memory_space<vmem>>, vector<1000x257xf32>
      tpu.vector_store %arg11[%swap3A, %swap3A_69], %add3A_68 {strides = array<i32>} : memref<1000x257xf32, #tpu.memory_space<vmem>>, vector<1000x257xf32>,
    } else {
    }
    return
  }
  func.func @transform_0(%arg0: i32) -> (i32, i32, i32) {
    %min3A = arith.constant 9 : i32
    %min3A_0 = arith.minsi %arg0, %min3A : i32
    %c0_i32 = arith.constant 0 : i32
    %c0_i32_1 = arith.constant 0 : i32
    %c0_i32_2 = arith.constant 0 : i32
    return %c0_i32, %min3A_0, %c0_i32_1 : i32, i32, i32
  }
  func.func @transform_1(%arg0: i32) -> (i32, i32, i32) {
    %min3A = arith.constant 9 : i32
    %min3A_0 = arith.minsi %arg0, %min3A : i32
    %c1_i32 = arith.constant 1 : i32
    %c0_i32 = arith.constant 0 : i32
    %c0_i32_1 = arith.constant 0 : i32
    return %c1_i32, %min3A_0, %c0_i32 : i32, i32, i32
  }
  func.func @transform_2(%arg0: i32) -> (i32, i32) {
    %sub3A = arith.constant 10 : i32
    %sub3A_0 = arith.subi %arg0, %sub3A : i32
    %max3A = arith.constant 0 : i32
    %max3A_1 = arith.maxsi %sub3A_0, %max3A : i32
    %c0_i32 = arith.constant 0 : i32
    %c0_i32_2 = arith.constant 0 : i32
    return %max3A_1, %c0_i32 : i32, i32
  }
  func.func @transform_3(%arg0: i32) -> (i32, i32) {
    %c0_i32 = arith.constant 0 : i32
    %c0_i32_0 = arith.constant 0 : i32
    %c0_i32_1 = arith.constant 0 : i32
    return %c0_i32, %c0_i32_0 : i32, i32
  }
  func.func @transform_4(%arg0: i32) -> (i32, i32) {
    %c0_i32 = arith.constant 0 : i32
    %c0_i32_0 = arith.constant 0 : i32
    %c0_i32_1 = arith.constant 0 : i32
    return %c0_i32, %c0_i32_0 : i32, i32
  }
  func.func @transform_5(%arg0: i32) -> (i32, i32) {
    %c0_i32 = arith.constant 0 : i32
    %c0_i32_0 = arith.constant 0 : i32
    %c0_i32_1 = arith.constant 0 : i32
    return %c0_i32, %c0_i32_0 : i32, i32
  }
  func.func @transform_6(%arg0: i32) -> (i32, i32) {
    %c0_i32 = arith.constant 0 : i32
    %c0_i32_0 = arith.constant 0 : i32
    %c0_i32_1 = arith.constant 0 : i32
    return %c0_i32, %c0_i32_0 : i32, i32
  }
  func.func @transform_7(%arg0: i32) -> (i32, i32) {
    %c0_i32 = arith.constant 0 : i32
    %c0_i32_0 = arith.constant 0 : i32
    %c0_i32_1 = arith.constant 0 : i32
    return %c0_i32, %c0_i32_0 : i32, i32
  }
  func.func @transform_8(%arg0: i32) -> (i32, i32) {
    %c0_i32 = arith.constant 0 : i32
    %c0_i32_0 = arith.constant 0 : i32
    %c0_i32_1 = arith.constant 0 : i32
    return %c0_i32, %c0_i32_0 : i32, i32
  }
  func.func @transform_9(%arg0: i32) -> (i32, i32) {
    %c0_i32 = arith.constant 0 : i32
    %c0_i32_0 = arith.constant 0 : i32
    %c0_i32_1 = arith.constant 0 : i32
    return %c0_i32, %c0_i32_0 : i32, i32
  }
  func.func @transform_10(%arg0: i32) -> (i32, i32) {
    %sub3A = arith.constant 10 : i32
    %sub3A_0 = arith.subi %arg0, %sub3A : i32
    %max3A = arith.constant 0 : i32
    %max3A_1 = arith.maxsi %sub3A_0, %max3A : i32
    %c0_i32 = arith.constant 0 : i32
    %c0_i32_2 = arith.constant 0 : i32
    return %max3A_1, %c0_i32 : i32, i32
  }
}

</mosaic_0001>

<sc_bundles>
// kernel: kernel.4.cloned.1.call-start
scs
__scs_entry_jumppad:
0x0: {  	(pc) =	sbr.rel $0x88, $3  }
0x1: {  	(tag) =	ssettag $0x0;
	lr =	simm.s32 $0x1  }
0x2: {  	[smem:$0x3F95] =	sst lr;
	_ =	strace $0xD0000000  }
0x3: {  	_ = 	snop  }
0x4: {  	_ = 	snop  }
0x5: {  	_ = 	snop  }
0x6: {  	_ = 	snop  }
0x7: {  	_ = 	snop  }
__scs_overlays_trampoline_lowered:
0x8: {  	[smem:$0x3FA4] =	sst s0  }
0x9: {  	[smem:$0x3FA5] =	sst s1  }
0xa: {  	[smem:$0x3FA6] =	sst s2  }
0xb: {  	[smem:$0x3FA7] =	sst s3  }
0xc: {  	[smem:$0x3FA8] =	sst s4  }
0xd: {  	[smem:$0x3FA9] =	sst s5  }
0xe: {  	[smem:$0x3FAA] =	sst s6  }
0xf: {  	[smem:$0x3FAB] =	sst s7  }
0x10: {  	[smem:$0x3FAC] =	sst s8  }
0x11: {  	[smem:$0x3FAD] =	sst s9;
	s0 =	simm.s32 @!p0 $0x0  }
0x12: {  	s1 =	sld [smem:$0x3F93];
	s0 =	simm.s32 @p0 $0x1  }
0x13: {  	[smem:$0x3FAE] =	sst s0;
	s0 =	simm.s32 @!p1 $0x0  }
0x14: {  	s2 =	sld [smem:$0x3F92];
	s0 =	simm.s32 @p1 $0x1  }
0x15: {  	[smem:$0x3FAF] =	sst s0;
	s0 =	simm.s32 @!p2 $0x0  }
0x16: {  	s3 =	sld [smem:$0x3FDB];
	s0 =	simm.s32 @p2 $0x1  }
0x17: {  	s4 =	simm.s32 $0x1BF5;
	[smem:$0x3FB1] =	sst s0  }
0x18: {  	s0 =	sld [smem:$0x3F94];
	_ =	swait.ge [sflag:s4], $0x0  }
0x19: {  	s7 =	sld [smem:$0x3F95]  }
0x1a: {  	s8 =	sadd.s32 $0xFFFFE003, lr  }
0x1b: {  	s9 =	sadd.s32 $0xFFFFFEF7, lr;
	s5 =	simm.s32 $0xFFFFFFFF;
	p2 =	slt.u32 s8, $0xFFFFF086  }
0x1c: {  	p1 =	slt.u32 s9, $0xF7A;
	s5 =	simm.s32 @!p2 $0x0  }
0x1d: {  	s5 =	simm.s32 @p1 $0x1;
	p0 =	seq.s32 s7, s2  }
0x1e: {  	s7 =	smul.u32 @!p0 $0xF7A, s2;
	p2 =	seq.s32 @!p0 s5, $0x0  }
0x1f: {  	s9 =	smul.u32 $0xF7A, s1;
	s8 =	simm.s32 @!p0 $0x1BF5;
	p2 =	por !p2, p0  }
0x20: {  	[sflag:s8] =	ssyncset.s32 @!p0 $0xFFFFF086;
	s6 =	sadd.s32 @!p0 s3, s7;
	s7 =	simm.s32 @!p0 $0x108  }
0x21: {  	s3 =	sadd.s32 s3, s9;
	s6 =	sadd.s32 @!p0 $0x88, s6;
	s7 =	simm.s32 @p2 $0x1082  }
0x22: {  	[simem:s7], [sflag:s8] =	dma.local @!p0 [hbm:s6], $0xF7A  }
0x23: {  	s9 =	sor.u32 $0xD0000000, s2;
	s6 =	simm.s32 $0x108;
	_ =	swait.ge @!p0 [sflag:s8], $0x0  }
0x24: {  	s3 =	sadd.s32 $0x88, s3;
	s6 =	simm.s32 @!p1 $0x1082;
	[sflag:s4] =	ssyncset.s32 $0xFFFFF086  }
0x25: {  	[simem:s6], [sflag:s4] =	dma.local [hbm:s3], $0xF7A  }
0x26: {  	[smem:$0x3F95] =	sst s1;
	(tag) =	ssettag s2;
	_ =	strace s9  }
0x27: {  	s1 =	sld [smem:$0x3FA5]  }
0x28: {  	s2 =	sld [smem:$0x3FA6]  }
0x29: {  	s4 =	sld [smem:$0x3FA8]  }
0x2a: {  	p0 =	seq.s32 s5, $0x0;
	s5 =	sld [smem:$0x3FA9]  }
0x2b: {  	s6 =	sld [smem:$0x3FAA]  }
0x2c: {  	s7 =	sld [smem:$0x3FAB]  }
0x2d: {  	s3 =	simm.s32 $0x108;
	s8 =	sld [smem:$0x3FAC]  }
0x2e: {  	s3 =	simm.s32 @!p0 $0x1082;
	s9 =	sld [smem:$0x3FAD]  }
0x2f: {  	lr =	sadd.s32 s0, s3;
	s0 =	sld [smem:$0x3FA4]  }
0x30: {  	s3 =	sld [smem:$0x3FA7]  }
0x31: {  	[smem:$0x3FB0] =	sst s10  }
0x32: {  	s10 =	sld [smem:$0x3FAE];
	_ =	sdelay $0x3  }
0x33: {  	p0 =	seq.s32 s10, $0x1;
	s10 =	sld [smem:$0x3FB0];
	_ =	sdelay $0x3  }
0x34: {  	[smem:$0x3FB0] =	sst s10  }
0x35: {  	s10 =	sld [smem:$0x3FAF];
	_ =	sdelay $0x3  }
0x36: {  	p1 =	seq.s32 s10, $0x1;
	s10 =	sld [smem:$0x3FB0];
	_ =	sdelay $0x3  }
0x37: {  	[smem:$0x3FB0] =	sst s10  }
0x38: {  	s10 =	sld [smem:$0x3FB1]  }
0x39: {  	_ = 	snop;
	(pc) =	sbr.ind lr, $3  }
0x3a: {  	_ = 	snop  }
0x3b: {  	_ = 	snop  }
0x3c: {  	p2 =	seq.s32 s10, $0x1;
	s10 =	sld [smem:$0x3FB0]  }
0x3d: {  	_ =	shalt  }
0x3e: {  	_ =	shalt  }
0x3f: {  	_ =	shalt  }
0x40: {  	_ =	shalt  }
0x41: {  	_ =	shalt  }
0x42: {  	_ =	shalt  }
0x43: {  	_ =	shalt  }
0x44: {  	_ =	shalt  }
0x45: {  	_ =	shalt  }
0x46: {  	_ =	shalt  }
0x47: {  	_ =	shalt  }
0x48: {  	_ =	shalt  }
0x49: {  	_ =	shalt  }
0x4a: {  	_ =	shalt  }
0x4b: {  	_ =	shalt  }
0x4c: {  	_ =	shalt  }
0x4d: {  	_ =	shalt  }
0x4e: {  	_ =	shalt  }
0x4f: {  	_ =	shalt  }
0x50: {  	_ =	shalt  }
0x51: {  	_ =	shalt  }
0x52: {  	_ =	shalt  }
0x53: {  	_ =	shalt  }
0x54: {  	_ =	shalt  }
0x55: {  	_ =	shalt  }
0x56: {  	_ =	shalt  }
0x57: {  	_ =	shalt  }
0x58: {  	_ =	shalt  }
0x59: {  	_ =	shalt  }
0x5a: {  	_ =	shalt  }
0x5b: {  	_ =	shalt  }
0x5c: {  	_ =	shalt  }
0x5d: {  	_ =	shalt  }
0x5e: {  	_ =	shalt  }
0x5f: {  	_ =	shalt  }
0x60: {  	_ =	shalt  }
0x61: {  	_ =	shalt  }
0x62: {  	_ =	shalt  }
0x63: {  	_ =	shalt  }
0x64: {  	_ =	shalt  }
0x65: {  	_ =	shalt  }
0x66: {  	_ =	shalt  }
0x67: {  	_ =	shalt  }
0x68: {  	_ =	shalt  }
0x69: {  	_ =	shalt  }
0x6a: {  	_ =	shalt  }
0x6b: {  	_ =	shalt  }
0x6c: {  	_ =	shalt  }
0x6d: {  	_ =	shalt  }
0x6e: {  	_ =	shalt  }
0x6f: {  	_ =	shalt  }
0x70: {  	_ =	shalt  }
0x71: {  	_ =	shalt  }
0x72: {  	_ =	shalt  }
0x73: {  	_ =	shalt  }
0x74: {  	_ =	shalt  }
0x75: {  	_ =	shalt  }
0x76: {  	_ =	shalt  }
0x77: {  	_ =	shalt  }
0x78: {  	_ =	shalt  }
0x79: {  	_ =	shalt  }
0x7a: {  	_ =	shalt  }
0x7b: {  	_ =	shalt  }
0x7c: {  	_ =	shalt  }
0x7d: {  	_ =	shalt  }
0x7e: {  	_ =	shalt  }
0x7f: {  	_ =	shalt  }
0x80: {  	_ =	shalt  }
0x81: {  	_ =	shalt  }
0x82: {  	_ =	shalt  }
0x83: {  	_ =	shalt  }
0x84: {  	_ =	shalt  }
0x85: {  	_ =	shalt  }
0x86: {  	_ =	shalt  }
0x87: {  	_ =	shalt  }
.Lfunc_end0:
.L_simem_size_0:
called_computation_lowered:
.L_overlay_start_0:
0x88: {  	s2 =	sld [smem:$0x3FD9]  }
0x89: {  	s3 =	sld [smem:$0x3FFE];
	_ =	sdelay $0x1  }
0x8a: {  	s1 =	srdreg.scid  }
0x8b: {  	s0 =	sand.u32 $0x1, s1  }
0x8c: {  	s17 =	sshll.u32 s0, $0xA;
	s2 =	sadd.s32 s3, s2  }
0x8d: {  	s2 =	sadd.s32 s2, s17  }
0x8e: {  	[smem:$0x3FBC] =	sst s2  }
0x8f: {  	_ = 	snop  }
0x90: {  	s2 =	sld [smem:$0x3FC9]  }
0x91: {  	s18 =	sld [smem:$0x3FC8]  }
0x92: {  	s4 =	sld [smem:$0x3FC5]  }
0x93: {  	s5 =	sld [smem:$0x3FC4]  }
0x94: {  	s6 =	sld [smem:$0x3FD0];
	(tm) =	ssettm $0x1  }
0x95: {  	s7 =	sld [smem:$0x3FFB];
	_ =	sdelay $0x3  }
0x96: {  	_ =	strace s7  }
0x97: {  	s7 =	sld [smem:$0x3FFC];
	_ =	sdelay $0x3  }
0x98: {  	_ =	strace s7  }
0x99: {  	s7 =	sld [smem:$0x3FFD];
	_ =	sdelay $0x3  }
0x9a: {  	_ =	strace s7  }
0x9b: {  	_ =	strace $0x8FFFFFFF  }
0x9c: {  	s19 =	sld [smem:$0x3FDB];
	_ =	sdelay $0x1  }
0x9d: {  	s8 =	simm.s32 $_scs_section_size  }
0x9e: {  	s9 =	simm.s32 $_size__tile_overlayer_lowered;
	s10 =	simm.s32 $_tile_overlayer_lowered  }
0x9f: {  	s22 =	simm.s32 $0x1BFF;
	s21 =	sshll.u32 s10, $0x1;
	s7 =	sadd.s32 s8, s19  }
0xa0: {  	s11 =	simm.s32 $0x0;
	s20 =	sshll.u32 s9, $0x1;
	s9 =	sadd.s32 s21, s7  }
0xa1: {  	[timem:s11], [sflag:s22] =	dma.local [hbm:s9], s20  }
0xa2: {  	_ =	swait.ge [sflag:s22], s20  }
0xa3: {  	s8 =	ssub.s32 $0x0, s20;
	[sflag:s22] =	ssyncset.done $0x0  }
0xa4: {  	[sflag:s22] =	ssyncadd.s32 s8;
	_ =	sdelay $0x1  }
0xa5: {  	s23 =	simm.s32 $0x1B8B  }
0xa6: {  	_ =	swait.ge [sflag:s23], $0x1  }
0xa7: {  	[sflag:s23] =	ssyncset.done $0x0  }
0xa8: {  	s25 =	simm.s32 $0x1B8E;
	s24 =	sld [smem:$0x3FFE];
	[sflag:s23] =	ssyncadd.s32 $0xFFFFFFFF  }
0xa9: {  	s26 =	simm.s32 $execute0_lowered;
	[smem:$0x3FD2] =	sst s25  }
0xaa: {  	s9 =	sshll.u32 s26, $0x1;
	_ =	strace $0x80000046;
	[dreg:$0x1] =	wrdreg $0xFFFFFFFF  }
0xab: {  	s28 =	simm.s32 $_size_execute0_lowered;
	s7 =	sadd.s32 s7, s9;
	[dreg:$0x0] =	wrdreg $0x0  }
0xac: {  	s9 =	sshll.u32 s28, $0x1;
	[dreg:$0x2] =	wrdreg s7  }
0xad: {  	[dreg:$0x3] =	wrdreg s9  }
0xae: {  	[dreg:$0x4] =	wrdreg $0xC0  }
0xaf: {  	_ =	task [dreg:s11], $0x5FFFF  }
0xb0: {  	[dreg:$0x1] =	wrdreg $0xFFFFFFFF  }
0xb1: {  	[dreg:$0x0] =	wrdreg $0x60  }
0xb2: {  	[dreg:$0x2] =	wrdreg s4  }
0xb3: {  	[dreg:$0x3] =	wrdreg s5  }
0xb4: {  	[dreg:$0x4] =	wrdreg s18  }
0xb5: {  	[dreg:$0x5] =	wrdreg s2  }
0xb6: {  	[dreg:$0x6] =	wrdreg s6  }
0xb7: {  	[dreg:$0x7] =	wrdreg s24  }
0xb8: {  	[dreg:$0x8] =	wrdreg $0x0  }
0xb9: {  	[dreg:$0x9] =	wrdreg $0x9  }
0xba: {  	_ =	task.clear_ibuf [dreg:s11], $0xAFFFF;
	_ =	strace $0x90000046  }
0xbb: {  	s29 =	simm.s32 $0x9;
	_ =	strace $0x80000048  }
0xbc: {  	_ =	swait.ge [sflag:s29], $0x1  }
0xbd: {  	[sflag:s29] =	ssyncadd.s32 $0xFFFFFFFF  }
0xbe: {  	_ =	strace $0x90000048  }
0xbf: {  	_ =	sfence  }
0xc0: {  	s30 =	sld [smem:$0x0];
	_ =	sdelay $0x2  }
0xc1: {  	s31 =	sshll.u32 s1, $0xD;
	s1 =	sshrl.u32 s1, $0x2  }
0xc2: {  	s3 =	sand.u32 $0x4000, s31;
	s1 =	sadd.s32 s1, s30  }
0xc3: {  	s0 =	sor.u32 s3, s0;
	s1 =	sshll.u32 s1, $0x11  }
0xc4: {  	s0 =	sor.u32 s1, s0  }
0xc5: {  	s0 =	sadd.s32 $0x8F2B, s0  }
0xc6: {  	[sflag:s0] =	ssyncadd.remote.s32 $0x1  }
0xc7: {  	_ =	sfence.sel $0xFFFF  }
0xc8: {  	[dreg:$0x0] =	wrdreg $0xFFFFFFFF;
	(pc) =	sbr.abs _section_cstart, $3  }
0xc9: {  	[dreg:$0x1] =	wrdreg $0xFFFFFFFF  }
0xca: {  	_ =	task.clear_ibuf [dreg:s11], $0x2FFFF;
	_ =	strace $0x9FFFFFFF  }
0xcb: {  	(tm) =	ssettm $0x7FFFFFFF  }
tec
execute0_lowered:
.L_overlay_start_1:
0x0: {  	(tag) =	ssettag $0x1  }
0x1: {  	s12 =	rddreg [dreg:$0x0]  }
0x2: {  	s5 =	rddreg [dreg:$0x1]  }
0x3: {  	s3 =	rddreg [dreg:$0x2]  }
0x4: {  	s16 =	rddreg [dreg:$0x3]  }
0x5: {  	s4 =	rddreg [dreg:$0x4]  }
0x6: {  	s0 =	rddreg [dreg:$0x5]  }
0x7: {  	s7 =	rddreg [dreg:$0x6]  }
0x8: {  	s1 =	srdreg.scid;
	s2 =	stileid.u32  }
0x9: {  	s8 =	simm.s32 $0x0;
	s23 =	simm.s32 $0x1D508;
	s24 =	simm.s32 $0x1D408  }
0xa: {  	s25 =	simm.s32 $0x1D588;
	s26 =	simm.s32 $0x1D488;
	s28 =	simm.s32 $0x1  }
0xb: {  	s29 =	simm.s32 $0x14C08;
	s30 =	simm.s32 $0x80;
	s31 =	simm.s32 $0x2  }
0xc: {  	s22 =	simm.s32 $0x0;
	s1 =	sand.u32 $0x1, s1;
	s6 =	smul.u32 $0x14C08, s2  }
0xd: {  	[smem:$0x7FF] =	sst s8;
	s10 =	sadd.s32 $0x1000, s0;
	s19 =	sshll.u32 s2, $0x6  }
0xe: {  	s14 =	smov.u32 s4;
	s9 =	smul.u32 $0x14C080, s1;
	_ =	strace $0x80000047  }
0xf: {  	[dreg:$0x8] =	wrdreg s10;
	s17 =	sshll.u32 s1, $0x4;
	s1 =	ssub.s32 $0x2, s1  }
0x10: {  	[dreg:$0x10] =	wrdreg s22;
	s10 =	sor.u32 s2, s17;
	s11 =	sshrl.u32 s1, $0x1  }
0x11: {  	s17 =	sor.u32 $0x1C05, s19;
	s2 =	smov.u32 s12;
	s13 =	smul.u32 $0x28, s10  }
0x12: {  	s9 =	sadd.s32 s6, s9;
	s1 =	ssub.s32 s1, s11;
	s18 =	smul.u32 $0x14000, s10  }
0x13: {  	p0 =	seq.s32 s10, $0x1F;
	s10 =	smul.u32 $0x280, s10;
	s11 =	simm.s32 $0xA  }
0x14: {  	s6 =	sadd.s32 s6, s7;
	s9 =	sshrl.u32 s9, $0x3;
	s11 =	simm.s32 @!p0 $0x28  }
0x15: {  	s21 =	smax.u32 s1, $0x1;
	s1 =	simm.s32 $0x19008;
	s0 =	sadd.s32 s9, s0  }
0x16: {  	s12 =	sadd.s32 s12, s18;
	s4 =	sadd.s32 s4, s10;
	s15 =	sadd.s32 s5, s18  }
0x17: {  	s20 =	sadd.s32 s16, s10;
	s18 =	sor.u32 $0x1, s13;
	[dreg:$0xe] =	wrdreg s21  }
0x18: {  	v0 =	vlaneseq.u32;
	s13 =	sshrl.u32 s6, $0x3;
	s6 =	simm.s32 $0x3;
	[dreg:$0xa] =	wrdreg s4  }
.Ltmp0:
0x19: {  	v7 =	vmul.u32 $0x88, v0;
	s9 =	simm.s32 $0x4;
	[dreg:$0xc] =	wrdreg s20;
	(pc) =	sbr.rel .LBB2_1-.Ltmp0, $4  }
0x1a: {  	s4 =	smov.u32 s3;
	s3 =	sadd.s32 s3, s10;
	[dreg:$0xf] =	wrdreg s13  }
0x1b: {  	v0 =	vadd.s32 $0x80, v7;
	v1 =	vadd.s32 $0x900, v7;
	s10 =	smov.u32 s17;
	s0 =	sadd.s32 $0x3A00, s0;
	[dreg:$0xb] =	wrdreg s3  }
0x1c: {  	v2 =	vadd.s32 $0x1180, v7;
	v3 =	vadd.s32 $0x1A00, v7;
	v4 =	vadd.s32 $0x2280, v7;
	s17 =	sadd.s32 $0xFFFFFFFF, s11;
	s3 =	smov.u32 s5;
	[dreg:$0xd] =	wrdreg s0  }
0x1d: {  	v5 =	vadd.s32 $0x2B00, v7;
	v6 =	vadd.s32 $0x3380, v7;
	v7 =	vadd.s32 $0x3C00, v7;
	s5 =	smov.u32 s16;
	s16 =	simm.s32 $0x5;
	[dreg:$0x9] =	wrdreg s10  }
.LBB2_14:
0x1e: {  	[bflag:$0x0] =	sbarrier.arrive $0xFFFF  }
0x1f: {  	s10 =	rddreg [dreg:$0x9]  }
0x20: {  	s0 =	rddreg [dreg:$0xd]  }
0x21: {  	s16 =	simm.s32 $0x5;
	s13 =	rddreg [dreg:$0xf]  }
0x22: {  	[hbm:s0], [sflag:s10] =	dma.local [spmem:s13], $0x2981  }
0x23: {  	_ =	swait.ge [sflag:s16], $0x2981  }
0x24: {  	s19 =	rddreg [dreg:$0x10]  }
0x25: {  	s22 =	rddreg [dreg:$0xe];
	s19 =	sadd.s32 $0x1, s19  }
0x26: {  	p0 =	sne.s32 s19, s22  }
.Ltmp1:
0x27: {  	_ = 	snop;
	(pc) =	sbr.rel @!p0 .LBB2_15-.Ltmp1, $3  }
0x28: {  	_ =	sdelay $0x1  }
0x29: {  	[sflag:s16] =	ssyncset.done $0x0  }
0x2a: {  	[sflag:s16] =	ssyncadd.s32 $0xFFFFD67F;
	[dreg:$0x10] =	wrdreg s19  }
.LBB2_1:
0x2b: {  	s0 =	rddreg [dreg:$0x8]  }
0x2c: {  	[spmem:s13], [sflag:s10] =	dma.local [hbm:s0], $0x2981  }
0x2d: {  	_ =	swait.ge [sflag:s16], $0x2981  }
0x2e: {  	[sflag:s16] =	ssyncset.done $0x0  }
0x2f: {  	s19 =	sadd.s32 $0x0, s12;
	s10 =	simm.s32 $0x10;
	[sflag:s16] =	ssyncadd.s32 $0xFFFFD67F  }
0x30: {  	s13 =	simm.s32 $0x14C90;
	s16 =	simm.s32 $0x14C08;
	[bflag:$0x0] =	sbarrier.arrive $0xFFFF  }
.LBB2_2:
0x31: {  	[tilespmem:s16], [sflag:$0x1] =	stream.linear.gather [hbm4b:s19+s8], $0x80, $0x38;
	[tilespmem:$0x1D608] =	vst v63  }
0x32: {  	s0 =	smov.u32 s10;
	s16 =	smov.u32 s13;
	p0 =	sne.s32 s10, $0x7F0  }
.Ltmp2:
0x33: {  	s10 =	sadd.s32 $0x10, s10;
	(pc) =	sbr.rel @p0 .LBB2_2-.Ltmp2, $2  }
0x34: {  	_ =	sdelay $0x2  }
0x35: {  	s13 =	sadd.s32 $0x88, s13;
	s19 =	sadd.s32 s0, s12  }
0x36: {  	[tilespmem:s16], [sflag:$0x1] =	stream.linear.gather [hbm4b:s19+s8], $0x80, $0x38;
	[tilespmem:$0x1D608] =	vst v63  }
0x37: {  	s10 =	rddreg [dreg:$0xa]  }
0x38: {  	s0 =	simm.s32 $0x0;
	s22 =	rddreg [dreg:$0xb];
	s13 =	simm.s32 $0x10  }
0x39: {  	[tilespmem:s23], [sflag:$0x1] =	stream.linear.gather [hbm4b:s10+s0], $0x80, $0x38;
	[tilespmem:$0x1D608] =	vst v63  }
0x3a: {  	s19 =	sadd.s32 $0x0, s15;
	s16 =	simm.s32 $0x19090;
	s10 =	simm.s32 $0x19008  }
0x3b: {  	[tilespmem:s24], [sflag:$0x1] =	stream.linear.gather [hbm4b:s22+s0], $0x80, $0x38;
	[tilespmem:$0x1D608] =	vst v63  }
.LBB2_4:
0x3c: {  	[tilespmem:s10], [sflag:$0x2] =	stream.linear.gather [hbm4b:s19+s8], $0x80, $0x38;
	[tilespmem:$0x1D608] =	vst v63  }
0x3d: {  	s0 =	smov.u32 s13;
	s10 =	smov.u32 s16;
	p0 =	sne.s32 s13, $0x7F0  }
.Ltmp3:
0x3e: {  	s13 =	sadd.s32 $0x10, s13;
	(pc) =	sbr.rel @p0 .LBB2_4-.Ltmp3, $2  }
0x3f: {  	_ =	sdelay $0x2  }
0x40: {  	s16 =	sadd.s32 $0x88, s16;
	s19 =	sadd.s32 s0, s15  }
0x41: {  	[tilespmem:s10], [sflag:$0x2] =	stream.linear.gather [hbm4b:s19+s8], $0x80, $0x38;
	[tilespmem:$0x1D608] =	vst v63  }
.Ltmp4:
0x42: {  	_ = 	snop;
	(pc) =	sbr.rel .LBB2_6-.Ltmp4, $4  }
0x43: {  	s16 =	simm.s32 $0x0;
	s0 =	rddreg [dreg:$0xa]  }
0x44: {  	[tilespmem:s25], [sflag:$0x2] =	stream.linear.gather [hbm4b:s0+s16], $0x80, $0x38;
	[tilespmem:$0x1D608] =	vst v63  }
0x45: {  	s22 =	rddreg [dreg:$0xc]  }
0x46: {  	[tilespmem:s26], [sflag:$0x2] =	stream.linear.gather [hbm4b:s22+s16], $0x80, $0x38;
	[tilespmem:$0x1D608] =	vst v63  }
.LBB2_12:
0x47: {  	_ =	swait.ge [sflag:s9], $0x4400  }
0x48: {  	[sflag:s9] =	ssyncset.done $0x0  }
0x49: {  	[sflag:s9] =	ssyncadd.s32 $0xFFFFBC00  }
.LBB2_13:
0x4a: {  	s16 =	sadd.s32 $0x1, s16  }
0x4b: {  	p0 =	sne.s32 s16, s11  }
.Ltmp5:
0x4c: {  	_ = 	snop;
	(pc) =	sbr.rel @!p0 .LBB2_14-.Ltmp5, $1  }
0x4d: {  	_ =	sdelay $0x3  }
.LBB2_6:
0x4e: {  	_ =	swait.ge [sflag:s28], $0x4000  }
0x4f: {  	[sflag:s28] =	ssyncset.done $0x0  }
0x50: {  	[sflag:s28] =	ssyncadd.s32 $0xFFFFC000  }
0x51: {  	_ =	swait.ge [sflag:s28], $0x80  }
0x52: {  	[sflag:s28] =	ssyncset.done $0x0  }
0x53: {  	[sflag:s28] =	ssyncadd.s32 $0xFFFFFF80  }
0x54: {  	v8 =	vld [tilespmem:$0x1D508];
	_ =	sdelay $0x4  }
0x55: {  	[tilespmem:v0+s29+$0x0] =	vst.idx.msk $0xffff, v8  }
0x56: {  	v8 =	vld [tilespmem:$0x1D518];
	_ =	sdelay $0x4  }
0x57: {  	[tilespmem:v1+s29+$0x0] =	vst.idx.msk $0xffff, v8  }
0x58: {  	v8 =	vld [tilespmem:$0x1D528];
	_ =	sdelay $0x4  }
0x59: {  	[tilespmem:v2+s29+$0x0] =	vst.idx.msk $0xffff, v8  }
0x5a: {  	v8 =	vld [tilespmem:$0x1D538];
	_ =	sdelay $0x4  }
0x5b: {  	[tilespmem:v3+s29+$0x0] =	vst.idx.msk $0xffff, v8  }
0x5c: {  	v8 =	vld [tilespmem:$0x1D548];
	_ =	sdelay $0x4  }
0x5d: {  	[tilespmem:v4+s29+$0x0] =	vst.idx.msk $0xffff, v8  }
0x5e: {  	v8 =	vld [tilespmem:$0x1D558];
	_ =	sdelay $0x4  }
0x5f: {  	[tilespmem:v5+s29+$0x0] =	vst.idx.msk $0xffff, v8  }
0x60: {  	v8 =	vld [tilespmem:$0x1D568];
	_ =	sdelay $0x4  }
0x61: {  	[tilespmem:v6+s29+$0x0] =	vst.idx.msk $0xffff, v8  }
0x62: {  	v8 =	vld [tilespmem:$0x1D578];
	_ =	sdelay $0x4  }
0x63: {  	[tilespmem:v7+s29+$0x0] =	vst.idx.msk $0xffff, v8  }
0x64: {  	_ =	swait.ge [sflag:s28], $0x80  }
0x65: {  	[sflag:s28] =	ssyncset.done $0x0  }
0x66: {  	[sflag:s28] =	ssyncadd.s32 $0xFFFFFF80  }
0x67: {  	[spmem:s7] =	stream.indirect.scatter.add.f32 [tilespmem:s29], [sflag:$0x3], $0x88, s24, s30, $0xb8;
	[tilespmem:$0x1D608] =	vst v63  }
0x68: {  	_ =	swait.ge [sflag:s31], $0x4000  }
0x69: {  	[sflag:s31] =	ssyncset.done $0x0  }
0x6a: {  	[sflag:s31] =	ssyncadd.s32 $0xFFFFC000  }
0x6b: {  	_ =	swait.ge [sflag:s31], $0x80  }
0x6c: {  	[sflag:s31] =	ssyncset.done $0x0  }
0x6d: {  	[sflag:s31] =	ssyncadd.s32 $0xFFFFFF80  }
0x6e: {  	v8 =	vld [tilespmem:$0x1D588];
	_ =	sdelay $0x4  }
0x6f: {  	[tilespmem:v0+s1+$0x0] =	vst.idx.msk $0xffff, v8  }
0x70: {  	v8 =	vld [tilespmem:$0x1D598];
	_ =	sdelay $0x4  }
0x71: {  	[tilespmem:v1+s1+$0x0] =	vst.idx.msk $0xffff, v8  }
0x72: {  	v8 =	vld [tilespmem:$0x1D5A8];
	_ =	sdelay $0x4  }
0x73: {  	[tilespmem:v2+s1+$0x0] =	vst.idx.msk $0xffff, v8  }
0x74: {  	v8 =	vld [tilespmem:$0x1D5B8];
	_ =	sdelay $0x4  }
0x75: {  	[tilespmem:v3+s1+$0x0] =	vst.idx.msk $0xffff, v8  }
0x76: {  	v8 =	vld [tilespmem:$0x1D5C8];
	_ =	sdelay $0x4  }
0x77: {  	[tilespmem:v4+s1+$0x0] =	vst.idx.msk $0xffff, v8  }
0x78: {  	v8 =	vld [tilespmem:$0x1D5D8];
	_ =	sdelay $0x4  }
0x79: {  	[tilespmem:v5+s1+$0x0] =	vst.idx.msk $0xffff, v8  }
0x7a: {  	v8 =	vld [tilespmem:$0x1D5E8];
	_ =	sdelay $0x4  }
0x7b: {  	[tilespmem:v6+s1+$0x0] =	vst.idx.msk $0xffff, v8  }
0x7c: {  	v8 =	vld [tilespmem:$0x1D5F8];
	_ =	sdelay $0x4  }
0x7d: {  	[tilespmem:v7+s1+$0x0] =	vst.idx.msk $0xffff, v8  }
0x7e: {  	_ =	swait.ge [sflag:s31], $0x80  }
0x7f: {  	p0 =	sge.u32 s16, s17;
	[sflag:s31] =	ssyncset.done $0x0  }
.Ltmp6:
0x80: {  	[sflag:s31] =	ssyncadd.s32 $0xFFFFFF80;
	(pc) =	sbr.rel @p0 .LBB2_12-.Ltmp6, $4  }
0x81: {  	[spmem:s7] =	stream.indirect.scatter.add.f32 [tilespmem:s1], [sflag:$0x4], $0x88, s26, s30, $0xb8;
	[tilespmem:$0x1D608] =	vst v63  }
0x82: {  	_ =	swait.ge [sflag:s6], $0x4400  }
0x83: {  	[sflag:s6] =	ssyncset.done $0x0  }
0x84: {  	[sflag:s6] =	ssyncadd.s32 $0xFFFFBC00  }
0x85: {  	s10 =	sadd.s32 s16, s18  }
0x86: {  	s0 =	sshll.u32 s10, $0xB  }
0x87: {  	s19 =	sand.u32 $0x1FFFF800, s0  }
0x88: {  	s13 =	simm.s32 $0x14C08;
	s20 =	sadd.s32 s2, s19  }
0x89: {  	s21 =	simm.s32 $0x10;
	s22 =	simm.s32 $0x14C90;
	s0 =	sadd.s32 $0x0, s20  }
.LBB2_8:
0x8a: {  	[tilespmem:s13], [sflag:$0x1] =	stream.linear.gather [hbm4b:s0+s8], $0x80, $0x38;
	[tilespmem:$0x1D608] =	vst v63  }
0x8b: {  	s0 =	smov.u32 s21;
	s13 =	smov.u32 s22;
	p0 =	sne.s32 s21, $0x7F0  }
.Ltmp7:
0x8c: {  	s21 =	sadd.s32 $0x10, s21;
	(pc) =	sbr.rel @p0 .LBB2_8-.Ltmp7, $2  }
0x8d: {  	_ =	sdelay $0x2  }
0x8e: {  	s22 =	sadd.s32 $0x88, s22;
	s0 =	sadd.s32 s0, s20  }
0x8f: {  	[tilespmem:s13], [sflag:$0x1] =	stream.linear.gather [hbm4b:s0+s8], $0x80, $0x38;
	[tilespmem:$0x1D608] =	vst v63  }
0x90: {  	s20 =	sshll.u32 s10, $0x4  }
0x91: {  	s20 =	sand.u32 $0x1FFFFFF0, s20  }
0x92: {  	s21 =	simm.s32 $0x0;
	s10 =	sadd.s32 s14, s20  }
0x93: {  	[tilespmem:s23], [sflag:$0x1] =	stream.linear.gather [hbm4b:s10+s21], $0x80, $0x38;
	[tilespmem:$0x1D608] =	vst v63  }
0x94: {  	s22 =	sadd.s32 s4, s20  }
0x95: {  	[tilespmem:s24], [sflag:$0x1] =	stream.linear.gather [hbm4b:s22+s21], $0x80, $0x38;
	[tilespmem:$0x1D608] =	vst v63  }
0x96: {  	s19 =	sadd.s32 s3, s19;
	_ =	swait.ge [sflag:s9], $0x4400  }
0x97: {  	s13 =	simm.s32 $0x19008;
	s0 =	sadd.s32 $0x0, s19;
	[sflag:s9] =	ssyncset.done $0x0  }
0x98: {  	s21 =	simm.s32 $0x10;
	s22 =	simm.s32 $0x19090;
	[sflag:s9] =	ssyncadd.s32 $0xFFFFBC00  }
.LBB2_10:
0x99: {  	[tilespmem:s13], [sflag:$0x2] =	stream.linear.gather [hbm4b:s0+s8], $0x80, $0x38;
	[tilespmem:$0x1D608] =	vst v63  }
0x9a: {  	s0 =	smov.u32 s21;
	s13 =	smov.u32 s22;
	p0 =	sne.s32 s21, $0x7F0  }
.Ltmp8:
0x9b: {  	s21 =	sadd.s32 $0x10, s21;
	(pc) =	sbr.rel @p0 .LBB2_10-.Ltmp8, $2  }
0x9c: {  	_ =	sdelay $0x2  }
0x9d: {  	s22 =	sadd.s32 $0x88, s22;
	s0 =	sadd.s32 s0, s19  }
0x9e: {  	[tilespmem:s13], [sflag:$0x2] =	stream.linear.gather [hbm4b:s0+s8], $0x80, $0x38;
	[tilespmem:$0x1D608] =	vst v63  }
.Ltmp9:
0x9f: {  	_ = 	snop;
	(pc) =	sbr.rel .LBB2_13-.Ltmp9, $4  }
0xa0: {  	_ = 	snop  }
0xa1: {  	[tilespmem:s25], [sflag:$0x2] =	stream.linear.gather [hbm4b:s10+s8], $0x80, $0x38;
	[tilespmem:$0x1D608] =	vst v63  }
0xa2: {  	s22 =	sadd.s32 s5, s20  }
0xa3: {  	[tilespmem:s26], [sflag:$0x2] =	stream.linear.gather [hbm4b:s22+s8], $0x80, $0x38;
	[tilespmem:$0x1D608] =	vst v63  }
.LBB2_15:
0xa4: {  	_ =	sfence.sel $0x180000  }
0xa5: {  	[bflag:$0x0] =	sbarrier.arrive $0xFFFF  }
0xa6: {  	_ =	strace $0x90000047  }
0xa7: {  	s0 =	stileid.u32;
	[bflag:$0x2] =	sbarrier.arrive $0xFFFF  }
0xa8: {  	p0 =	sne.s32 s0, $0x0;
	s0 =	rddreg [dreg:$0x7]  }
0xa9: {  	s0 =	sadd.s32 @!p0 $0x100000, s0  }
0xaa: {  	[sflag:s0] =	ssyncadd.tile.s32 @!p0 $0x1;
	_ =	shalt  }
.Lfunc_end2:
_tile_overlayer_lowered:
.L_overlay_start_2:
0xab: {  	(tag) =	ssettag $0x2  }
0xac: {  	s0 =	rddreg [dreg:$0x0];
	s2 =	stileid.u32  }
0xad: {  	s1 =	rddreg [dreg:$0x1];
	p0 =	sne.s32 s2, $0x0  }
0xae: {  	s3 =	rddreg [dreg:$0x2];
	[bflag:$0x3] =	sbarrier.arrive $0xFFFF;
	s2 =	simm.s32 @!p0 $0x1C05  }
0xaf: {  	[timem:s3], [sflag:s2] =	dma.local @!p0 [hbm:s0], s1  }
0xb0: {  	s0 =	simm.s32 @!p0 $0x5  }
0xb1: {  	_ =	swait.ge @!p0 [sflag:s0], s1  }
0xb2: {  	s1 =	ssub.s32 @!p0 $0x0, s1;
	[sflag:s0] =	ssyncset.done @!p0 $0x0  }
0xb3: {  	[sflag:s0] =	ssyncadd.s32 @!p0 s1  }
0xb4: {  	[bflag:$0x3] =	sbarrier.arrive $0xFFFF  }
0xb5: {  	_ =	shalt  }

</sc_bundles>
